<compile_context>
chip_gen: v7x
topology: tpu7x:2x2x1
jax: 0.10.2.dev20260603
libtpu: 0.0.44.dev20260713+nightly
codegen_flags: <defaults>
</compile_context>

<pallas_src>
import functools

import jax
import jax.numpy as jnp
from jax import lax
from jax.experimental import pallas as pl
from jax.experimental.pallas import tpu as pltpu
from jax.experimental.pallas import tpu_sc as plsc

IN_SIZE = 1024
HID = 1024
MEM_SIZE = 65536
MEM_DIM = 512
OUT_SIZE = 1024
TOP_K = 3
BLK = 4096
NBLK = MEM_SIZE // BLK
NEG_INF = float("-inf")
IMAX = 2**31 - 1

LANE = 16
NW = 32
TILE32 = MEM_SIZE // NW
SC_K = 3
NCAND = 16



def _tc1_body(xlast_ref, W1_ref, b1_ref, W2_ref, b2_ref, Wq_ref, bq_ref,
              keys_ref, imp_ref, Wout_t_ref, bout_ref,
              wsims_ref, part_ref, qn_s):
    step = pl.program_id(0)

    @pl.when(step == 0)
    def _init():
        x = xlast_ref[...]
        h1 = jnp.maximum(
            jnp.dot(x, W1_ref[...], preferred_element_type=jnp.float32)
            + b1_ref[...], 0.0)
        h2 = jnp.dot(h1, W2_ref[...], preferred_element_type=jnp.float32) \
            + b2_ref[...]
        part_ref[...] = jnp.dot(h2, Wout_t_ref[...],
                                preferred_element_type=jnp.float32) \
            + bout_ref[...]
        q = jnp.dot(h2, Wq_ref[...], preferred_element_type=jnp.float32) \
            + bq_ref[...]
        qnorm = jnp.sqrt(jnp.sum(q * q))
        qn_s[...] = q / jnp.maximum(qnorm, 1e-12)

    blk = keys_ref[...]
    qn = qn_s[...]
    dn = (((1,), (1,)), ((), ()))
    dots = lax.dot_general(qn, blk, dn,
                           preferred_element_type=jnp.float32)
    sq = blk * blk
    ones = jnp.ones((1, MEM_DIM), dtype=jnp.float32)
    rn = lax.dot_general(ones, sq, dn,
                         preferred_element_type=jnp.float32)
    w = dots / jnp.maximum(jnp.sqrt(rn), 1e-12) * imp_ref[0]
    wsims_ref[...] = w.reshape(1, 1, BLK)


def _tc1(x_last, W1, b1, W2, b2, Wq, bq, mem_keys, imp3, Wout_top, bout):
    full = lambda i: (0, 0)
    grid_spec = pltpu.PrefetchScalarGridSpec(
        num_scalar_prefetch=0,
        grid=(NBLK,),
        in_specs=[
            pl.BlockSpec((1, IN_SIZE), full),
            pl.BlockSpec((IN_SIZE, HID), full),
            pl.BlockSpec((1, HID), full),
            pl.BlockSpec((HID, HID), full),
            pl.BlockSpec((1, HID), full),
            pl.BlockSpec((HID, MEM_DIM), full),
            pl.BlockSpec((1, MEM_DIM), full),
            pl.BlockSpec((BLK, MEM_DIM), lambda i: (i, 0)),
            pl.BlockSpec((1, 1, BLK), lambda i: (i, 0, 0)),
            pl.BlockSpec((HID, OUT_SIZE), full),
            pl.BlockSpec((1, OUT_SIZE), full),
        ],
        out_specs=(
            pl.BlockSpec((1, 1, BLK), lambda i: (i, 0, 0)),
            pl.BlockSpec((1, OUT_SIZE), full),
        ),
        scratch_shapes=[pltpu.VMEM((1, MEM_DIM), jnp.float32)],
    )
    return pl.pallas_call(
        _tc1_body,
        grid_spec=grid_spec,
        out_shape=(
            jax.ShapeDtypeStruct((NBLK, 1, BLK), jnp.float32),
            jax.ShapeDtypeStruct((1, OUT_SIZE), jnp.float32),
        ),
        compiler_params=pltpu.CompilerParams(
            dimension_semantics=("arbitrary",),
        ),
    )(x_last, W1, b1, W2, b2, Wq, bq, mem_keys, imp3, Wout_top, bout)



def _iota16():
    return lax.broadcasted_iota(jnp.int32, (LANE,), 0)


def _insert_top(v, i, tv, ti):
    k = len(tv)
    cs = [v > t for t in tv]
    nv, ni = list(tv), list(ti)
    for j in range(k - 1, 0, -1):
        nv[j] = jnp.where(cs[j - 1], tv[j - 1], jnp.where(cs[j], v, tv[j]))
        ni[j] = jnp.where(cs[j - 1], ti[j - 1], jnp.where(cs[j], i, ti[j]))
    nv[0] = jnp.where(cs[0], v, tv[0])
    ni[0] = jnp.where(cs[0], i, ti[0])
    return nv, ni


def _take16(v, idx):
    dn = lax.GatherDimensionNumbers(
        offset_dims=(), collapsed_slice_dims=(0,), start_index_map=(0,))
    return lax.gather(v, idx[:, None], dn, slice_sizes=(1,),
                      mode=lax.GatherScatterMode.PROMISE_IN_BOUNDS)


def _butterfly(v, op):
    it = _iota16()
    for k in (1, 2, 4, 8):
        v = op(v, _take16(v, jnp.bitwise_xor(it, k)))
    return v


def _bcast_max(v):
    return _butterfly(v, jnp.maximum)


def _bcast_min(v):
    return _butterfly(v, jnp.minimum)


def _extract_max(tv, ti):
    g = _bcast_max(tv[0])
    eq = tv[0] == g
    sel = _bcast_min(jnp.where(eq, ti[0], IMAX))
    rem = eq & (ti[0] == sel)
    nv, ni = list(tv), list(ti)
    for j in range(len(tv) - 1):
        nv[j] = jnp.where(rem, tv[j + 1], tv[j])
        ni[j] = jnp.where(rem, ti[j + 1], ti[j])
    nv[-1] = jnp.where(rem, NEG_INF, tv[-1])
    return g, sel, nv, ni


def _splats_to_vec(splats, fill, dtype):
    vec = jnp.full((LANE,), fill, dtype=dtype)
    it = _iota16()
    for j, s in enumerate(splats):
        vec = jnp.where(it == j, s, vec)
    return vec


def _sc_scan_body(wsims_hbm, vals_hbm, idxs_hbm, sims_v, triple_v, triple_i):
    cid = lax.axis_index("c")
    sid = lax.axis_index("s")
    wid = sid * 2 + cid
    base = wid * TILE32
    pltpu.sync_copy(wsims_hbm.at[pl.ds(base, TILE32)], sims_v)
    it = _iota16()

    def scan_step(k, carry):
        tv = carry[0:SC_K]
        ti = carry[SC_K:2 * SC_K]
        v = sims_v[pl.ds(k * LANE, LANE)]
        idx = base + k * LANE + it
        tv, ti = _insert_top(v, idx, tv, ti)
        return tuple(tv) + tuple(ti)

    ninf = jnp.full((LANE,), NEG_INF, dtype=jnp.float32)
    zero = jnp.zeros((LANE,), dtype=jnp.int32)
    carry = lax.fori_loop(0, TILE32 // LANE, scan_step,
                          (ninf,) * SC_K + (zero,) * SC_K)
    tv = list(carry[0:SC_K])
    ti = list(carry[SC_K:2 * SC_K])
    vals, idxs = [], []
    for _ in range(SC_K):
        g, sel, tv, ti = _extract_max(tv, ti)
        vals.append(g)
        idxs.append(sel)
    triple_v[...] = _splats_to_vec(vals, NEG_INF, jnp.float32)
    triple_i[...] = _splats_to_vec(idxs, 0, jnp.int32)
    pltpu.sync_copy(triple_v, vals_hbm.at[wid])
    pltpu.sync_copy(triple_i, idxs_hbm.at[wid])


@functools.partial(
    pl.kernel,
    mesh=plsc.VectorSubcoreMesh(core_axis_name="c", subcore_axis_name="s"),
    out_type=(
        jax.ShapeDtypeStruct((NW, LANE), jnp.float32),
        jax.ShapeDtypeStruct((NW, LANE), jnp.int32),
    ),
    scratch_types=[
        pltpu.VMEM((TILE32,), jnp.float32),
        pltpu.VMEM((LANE,), jnp.float32),
        pltpu.VMEM((LANE,), jnp.int32),
    ],
)
def _sc_scan(wsims_hbm, vals_hbm, idxs_hbm, *scratch):
    _sc_scan_body(wsims_hbm, vals_hbm, idxs_hbm, *scratch)



def _tc2_body(vals_ref, idxs_ref, part_ref, Wout_b_ref, mem_vals_ref,
              out_ref, row_s, sem):
    V = vals_ref[...]
    I = idxs_ref[...]
    tv, ti, cps = [], [], []
    for j in range(TOP_K):
        m = jnp.max(V)
        sel = jnp.min(jnp.where(V == m, I, IMAX))
        V = jnp.where(I == sel, NEG_INF, V)
        tv.append(m)
        ti.append(sel)
        cp = pltpu.make_async_copy(
            mem_vals_ref.at[pl.ds(sel, 1)], row_s.at[pl.ds(j, 1)], sem)
        cp.start()
        cps.append(cp)
    for cp in cps:
        cp.wait()

    m0 = tv[0]
    e = [jnp.exp(jnp.full((1, MEM_DIM), tv[j] - m0, dtype=jnp.float32))
         for j in range(TOP_K)]
    den = e[0] + e[1] + e[2]
    retrieved = (e[0] * row_s[0:1, :] + e[1] * row_s[1:2, :]
                 + e[2] * row_s[2:3, :]) / den
    out_ref[...] = part_ref[...] + jnp.dot(
        retrieved, Wout_b_ref[...], preferred_element_type=jnp.float32)


def _tc2(vals, idxs, part, Wout_bot, mem_vals):
    return pl.pallas_call(
        _tc2_body,
        in_specs=[
            pl.BlockSpec((NW, LANE), lambda: (0, 0)),
            pl.BlockSpec((NW, LANE), lambda: (0, 0)),
            pl.BlockSpec((1, OUT_SIZE), lambda: (0, 0)),
            pl.BlockSpec((MEM_DIM, OUT_SIZE), lambda: (0, 0)),
            pl.BlockSpec(memory_space=pl.ANY),
        ],
        out_specs=pl.BlockSpec((1, OUT_SIZE), lambda: (0, 0)),
        out_shape=jax.ShapeDtypeStruct((1, OUT_SIZE), jnp.float32),
        scratch_shapes=[
            pltpu.VMEM((8, MEM_DIM), jnp.float32),
            pltpu.SemaphoreType.DMA,
        ],
    )(vals, idxs, part, Wout_bot, mem_vals)



def kernel(x, W1, b1, W2, b2, Wq, bq, mem_keys, mem_vals, importance, Wout, bout):
    x_last = x[:, -1, :]
    imp3 = importance.reshape(NBLK, 1, BLK)
    wsims, part = _tc1(x_last, W1, b1.reshape(1, HID), W2,
                       b2.reshape(1, HID), Wq, bq.reshape(1, MEM_DIM),
                       mem_keys, imp3, Wout[:HID],
                       bout.reshape(1, OUT_SIZE))
    vals, idxs = _sc_scan(wsims.reshape(MEM_SIZE))
    return _tc2(vals, idxs, part, Wout[HID:], mem_vals)

# --- scband reference (transcript-rebuilt; emitter-appended) ---
"""Pipeline reference for scband-memory-augmented-network-30683246363134 (READ-ONLY COPY).

The authoritative reference and input builder live on the scoring server;
editing this copy changes nothing except your own understanding.
"""

import jax, jax.numpy as jnp
import numpy as np

IN_SIZE = 1024
HID = 1024
MEM_SIZE = 65536
MEM_DIM = 512
OUT_SIZE = 1024
TOP_K = 3


def setup_inputs(seed: int = 0) -> dict:
    key = jax.random.key(seed)
    ks = jax.random.split(key, 12)
    x = jax.random.normal(ks[0], (1, 2048, IN_SIZE), dtype=jnp.float32)
    W1 = jax.random.normal(ks[1], (IN_SIZE, HID), dtype=jnp.float32) * 0.02
    b1 = jnp.zeros((HID,), dtype=jnp.float32)
    W2 = jax.random.normal(ks[2], (HID, HID), dtype=jnp.float32) * 0.02
    b2 = jnp.zeros((HID,), dtype=jnp.float32)
    Wq = jax.random.normal(ks[3], (HID, MEM_DIM), dtype=jnp.float32) * 0.02
    bq = jnp.zeros((MEM_DIM,), dtype=jnp.float32)
    mem_keys = jax.random.normal(ks[4], (MEM_SIZE, MEM_DIM), dtype=jnp.float32)
    mem_vals = jax.random.normal(ks[5], (MEM_SIZE, MEM_DIM), dtype=jnp.float32)
    importance = jax.random.uniform(ks[6], (MEM_SIZE,), dtype=jnp.float32, minval=0.5, maxval=1.5)
    Wout = jax.random.normal(ks[7], (HID + MEM_DIM, OUT_SIZE), dtype=jnp.float32) * 0.02
    bout = jnp.zeros((OUT_SIZE,), dtype=jnp.float32)
    return {"x": x, "W1": W1, "b1": b1, "W2": W2, "b2": b2, "Wq": Wq, "bq": bq,
            "mem_keys": mem_keys, "mem_vals": mem_vals, "importance": importance,
            "Wout": Wout, "bout": bout}


def _normalize(v, axis=-1, eps=1e-12):
    n = jnp.linalg.norm(v, axis=axis, keepdims=True)
    return v / jnp.maximum(n, eps)


def reference(x, W1, b1, W2, b2, Wq, bq, mem_keys, mem_vals, importance, Wout, bout):
    B, S, D = x.shape
    # controller: Linear -> ReLU -> Linear
    h = x.reshape(-1, D)
    h = jax.nn.relu(h @ W1 + b1)
    h = h @ W2 + b2
    h = h.reshape(B, S, -1)
    last_hidden = h[:, -1, :]            # [B, HID], B == 1
    # memory interface: generate query
    query = last_hidden @ Wq + bq        # [1, MEM_DIM]
    # retrieve: cosine similarity weighted by importance
    qn = _normalize(query, axis=-1)
    kn = _normalize(mem_keys, axis=-1)
    sims = (qn @ kn.T).squeeze(0)        # [MEM_SIZE]
    weighted = sims * importance
    top_sims, top_idx = jax.lax.top_k(weighted, TOP_K)
    attn = jax.nn.softmax(top_sims, axis=0)
    top_values = mem_vals[top_idx]       # [TOP_K, MEM_DIM]
    retrieved = jnp.sum(attn[:, None] * top_values, axis=0)  # [MEM_DIM]
    # output layer over concat(hidden, retrieved)
    combined = jnp.concatenate([last_hidden, retrieved[None, :]], axis=-1)
    out = combined @ Wout + bout         # [1, OUT_SIZE]
    return out

if __name__ == "__main__":
    import jax
    _d = setup_inputs()
    print(jax.jit(kernel)(*tuple(_d.values())))

</pallas_src>

<mosaic_0001>
#map = affine_map<(d0, d1) -> (0)>
#map1 = affine_map<(d0, d1) -> (0, 0)>
module attributes {stable_mosaic.version = 14 : i64} {
  func.func @_sc_scan(%arg0: i32, %arg1: i32, %arg2: memref<65536xf32, #tpu.memory_space<hbm>>, %arg3: memref<32x16xf32, #tpu.memory_space<hbm>>, %arg4: memref<32x16xi32, #tpu.memory_space<hbm>>, %arg5: memref<2048xf32, #tpu.memory_space<vmem>>, %arg6: memref<16xf32, #tpu.memory_space<vmem>>, %arg7: memref<16xi32, #tpu.memory_space<vmem>>) attributes {dimension_semantics = [#tpu.dimension_semantics<core_parallel>, #tpu.dimension_semantics<subcore_parallel>], iteration_bounds = array<i64: 2, 16>, scalar_prefetch = 0 : i64, scratch_operands = 3 : i64, tpu.core_type = #tpu.core_type<sc_vector_subcore>, window_params = [{transform_indices = #map}, {transform_indices = #map1}, {transform_indices = #map1}]} {
    %mul3A = arith.constant 2 : i32
    %mul3A_0 = arith.muli %arg1, %mul3A : i32
    %add3A = arith.addi %mul3A_0, %arg0 : i32
    %mul3A_1 = arith.constant 2048 : i32
    %mul3A_2 = arith.muli %add3A, %mul3A_1 : i32
    "tpu.region"() ({
      %run_scoped3A = tpu.sem_alloc : memref<!tpu.dma_semaphore, #tpu.memory_space<semaphore_mem>>
      %dma_start3A = tpu.memref_slice %arg2[%mul3A_2] : memref<65536xf32, #tpu.memory_space<hbm>> -> memref<2048xf32, #tpu.memory_space<hbm>>
      %dma_start3A_253 = tpu.memref_slice %arg2[%mul3A_2] : memref<65536xf32, #tpu.memory_space<hbm>> -> memref<2048xf32, #tpu.memory_space<hbm>>
      tpu.enqueue_dma source(%dma_start3A_253 : memref<2048xf32, #tpu.memory_space<hbm>>) target(%arg5 : memref<2048xf32, #tpu.memory_space<vmem>>) target_semaphore(%run_scoped3A : memref<!tpu.dma_semaphore, #tpu.memory_space<semaphore_mem>>)
      %dma_wait3A = tpu.memref_slice %arg2[%mul3A_2] : memref<65536xf32, #tpu.memory_space<hbm>> -> memref<2048xf32, #tpu.memory_space<hbm>>
      %dma_wait3A_254 = tpu.memref_slice %arg2[%mul3A_2] : memref<65536xf32, #tpu.memory_space<hbm>> -> memref<2048xf32, #tpu.memory_space<hbm>>
      tpu.wait_dma2 semaphore(%run_scoped3A : memref<!tpu.dma_semaphore, #tpu.memory_space<semaphore_mem>>) src(%dma_wait3A_254 : memref<2048xf32, #tpu.memory_space<hbm>>) dst(%arg5 : memref<2048xf32, #tpu.memory_space<vmem>>)
      tpu.yield
    }) : () -> ()
    %iota3A = tpu.iota {dimensions = array<i32: 0>} : vector<16xi32>
    %broadcast_in_dim3A = arith.constant 0xFF800000 : f32
    %broadcast_in_dim3A_3 = vector.broadcast %broadcast_in_dim3A : f32 to vector<16xf32>
    %broadcast_in_dim3A_4 = arith.constant 0 : i32
    %broadcast_in_dim3A_5 = vector.broadcast %broadcast_in_dim3A_4 : i32 to vector<16xi32>
    %scan3A = arith.constant 0 : i32
    %scan3A_6 = arith.constant 128 : i32
    %scan3A_7 = arith.addi %scan3A, %scan3A_6 : i32
    %scan3A_8 = arith.constant 1 : i32
    %scan3A_9:6 = scf.for %scan3A_253 = %scan3A to %scan3A_7 step %scan3A_8 iter_args(%scan3A_254 = %broadcast_in_dim3A_3, %scan3A_255 = %broadcast_in_dim3A_3, %scan3A_256 = %broadcast_in_dim3A_3, %scan3A_257 = %broadcast_in_dim3A_5, %scan3A_258 = %broadcast_in_dim3A_5, %scan3A_259 = %broadcast_in_dim3A_5) -> (vector<16xf32>, vector<16xf32>, vector<16xf32>, vector<16xi32>, vector<16xi32>, vector<16xi32>)  : i32 {
      %mul3A_260 = arith.constant 16 : i32
      %mul3A_261 = arith.muli %scan3A_253, %mul3A_260 : i32
      %get3A = arith.index_cast %mul3A_261 : i32 to index
      %get3A_262 = tpu.vector_load %arg5[%get3A] {strides = array<i32>} : memref<2048xf32, #tpu.memory_space<vmem>>, vector<16xf32>,
      %get3A_263 = vector.shape_cast %get3A_262 : vector<16xf32> to vector<16xf32>
      %mul3A_264 = arith.constant 16 : i32
      %mul3A_265 = arith.muli %scan3A_253, %mul3A_264 : i32
      %add3A_266 = arith.addi %mul3A_2, %mul3A_265 : i32
      %add3A_267 = vector.broadcast %add3A_266 : i32 to vector<16xi32>
      %add3A_268 = arith.addi %add3A_267, %iota3A : vector<16xi32>
      %gt3A = arith.cmpf ogt, %get3A_263, %scan3A_254 : vector<16xf32>
      %gt3A_269 = arith.cmpf ogt, %get3A_263, %scan3A_255 : vector<16xf32>
      %gt3A_270 = arith.cmpf ogt, %get3A_263, %scan3A_256 : vector<16xf32>
      %select_n3A_271 = arith.select %gt3A_270, %get3A_263, %scan3A_256 : vector<16xi1>, vector<16xf32>
      %select_n3A_272 = arith.select %gt3A_269, %scan3A_255, %select_n3A_271 : vector<16xi1>, vector<16xf32>
      %select_n3A_273 = arith.select %gt3A_270, %add3A_268, %scan3A_259 : vector<16xi1>, vector<16xi32>
      %select_n3A_274 = arith.select %gt3A_269, %scan3A_258, %select_n3A_273 : vector<16xi1>, vector<16xi32>
      %select_n3A_275 = arith.select %gt3A_269, %get3A_263, %scan3A_255 : vector<16xi1>, vector<16xf32>
      %select_n3A_276 = arith.select %gt3A, %scan3A_254, %select_n3A_275 : vector<16xi1>, vector<16xf32>
      %select_n3A_277 = arith.select %gt3A_269, %add3A_268, %scan3A_258 : vector<16xi1>, vector<16xi32>
      %select_n3A_278 = arith.select %gt3A, %scan3A_257, %select_n3A_277 : vector<16xi1>, vector<16xi32>
      %select_n3A_279 = arith.select %gt3A, %get3A_263, %scan3A_254 : vector<16xi1>, vector<16xf32>
      %select_n3A_280 = arith.select %gt3A, %add3A_268, %scan3A_257 : vector<16xi1>, vector<16xi32>
      scf.yield %select_n3A_279, %select_n3A_276, %select_n3A_272, %select_n3A_280, %select_n3A_278, %select_n3A_274 : vector<16xf32>, vector<16xf32>, vector<16xf32>, vector<16xi32>, vector<16xi32>, vector<16xi32>
    }
    %scan3A_10 = arith.constant 128 : i32
    %iota3A_11 = tpu.iota {dimensions = array<i32: 0>} : vector<16xi32>
    %xor3A = arith.constant 1 : i32
    %xor3A_12 = vector.broadcast %xor3A : i32 to vector<16xi32>
    %xor3A_13 = arith.xori %iota3A_11, %xor3A_12 : vector<16xi32>
    %broadcast_in_dim3A_14 = vector.shape_cast %xor3A_13 : vector<16xi32> to vector<16x1xi32>
    %gather3A = vector.shape_cast %broadcast_in_dim3A_14 : vector<16x1xi32> to vector<16xi32>
    %gather3A_15 = tpu.dynamic_gather %scan3A_9#0[%gather3A] in [0] : vector<16xf32>, vector<16xi32> -> vector<16xf32>
    %max3A = arith.maximumf %scan3A_9#0, %gather3A_15 : vector<16xf32>
    %xor3A_16 = arith.constant 2 : i32
    %xor3A_17 = vector.broadcast %xor3A_16 : i32 to vector<16xi32>
    %xor3A_18 = arith.xori %iota3A_11, %xor3A_17 : vector<16xi32>
    %broadcast_in_dim3A_19 = vector.shape_cast %xor3A_18 : vector<16xi32> to vector<16x1xi32>
    %gather3A_20 = vector.shape_cast %broadcast_in_dim3A_19 : vector<16x1xi32> to vector<16xi32>
    %gather3A_21 = tpu.dynamic_gather %max3A[%gather3A_20] in [0] : vector<16xf32>, vector<16xi32> -> vector<16xf32>
    %max3A_22 = arith.maximumf %max3A, %gather3A_21 : vector<16xf32>
    %xor3A_23 = arith.constant 4 : i32
    %xor3A_24 = vector.broadcast %xor3A_23 : i32 to vector<16xi32>
    %xor3A_25 = arith.xori %iota3A_11, %xor3A_24 : vector<16xi32>
    %broadcast_in_dim3A_26 = vector.shape_cast %xor3A_25 : vector<16xi32> to vector<16x1xi32>
    %gather3A_27 = vector.shape_cast %broadcast_in_dim3A_26 : vector<16x1xi32> to vector<16xi32>
    %gather3A_28 = tpu.dynamic_gather %max3A_22[%gather3A_27] in [0] : vector<16xf32>, vector<16xi32> -> vector<16xf32>
    %max3A_29 = arith.maximumf %max3A_22, %gather3A_28 : vector<16xf32>
    %xor3A_30 = arith.constant 8 : i32
    %xor3A_31 = vector.broadcast %xor3A_30 : i32 to vector<16xi32>
    %xor3A_32 = arith.xori %iota3A_11, %xor3A_31 : vector<16xi32>
    %broadcast_in_dim3A_33 = vector.shape_cast %xor3A_32 : vector<16xi32> to vector<16x1xi32>
    %gather3A_34 = vector.shape_cast %broadcast_in_dim3A_33 : vector<16x1xi32> to vector<16xi32>
    %gather3A_35 = tpu.dynamic_gather %max3A_29[%gather3A_34] in [0] : vector<16xf32>, vector<16xi32> -> vector<16xf32>
    %max3A_36 = arith.maximumf %max3A_29, %gather3A_35 : vector<16xf32>
    %eq3A = arith.cmpf oeq, %scan3A_9#0, %max3A_36 : vector<16xf32>
    %jit3A = arith.constant 2147483647 : i32
    %broadcast_in_dim3A_37 = vector.broadcast %jit3A : i32 to vector<16xi32>
    %select_n3A = arith.select %eq3A, %scan3A_9#3, %broadcast_in_dim3A_37 : vector<16xi1>, vector<16xi32>
    %iota3A_38 = tpu.iota {dimensions = array<i32: 0>} : vector<16xi32>
    %xor3A_39 = arith.constant 1 : i32
    %xor3A_40 = vector.broadcast %xor3A_39 : i32 to vector<16xi32>
    %xor3A_41 = arith.xori %iota3A_38, %xor3A_40 : vector<16xi32>
    %broadcast_in_dim3A_42 = vector.shape_cast %xor3A_41 : vector<16xi32> to vector<16x1xi32>
    %gather3A_43 = vector.shape_cast %broadcast_in_dim3A_42 : vector<16x1xi32> to vector<16xi32>
    %gather3A_44 = tpu.dynamic_gather %select_n3A[%gather3A_43] in [0] : vector<16xi32>, vector<16xi32> -> vector<16xi32>
    %min3A = arith.minsi %select_n3A, %gather3A_44 : vector<16xi32>
    %xor3A_45 = arith.constant 2 : i32
    %xor3A_46 = vector.broadcast %xor3A_45 : i32 to vector<16xi32>
    %xor3A_47 = arith.xori %iota3A_38, %xor3A_46 : vector<16xi32>
    %broadcast_in_dim3A_48 = vector.shape_cast %xor3A_47 : vector<16xi32> to vector<16x1xi32>
    %gather3A_49 = vector.shape_cast %broadcast_in_dim3A_48 : vector<16x1xi32> to vector<16xi32>
    %gather3A_50 = tpu.dynamic_gather %min3A[%gather3A_49] in [0] : vector<16xi32>, vector<16xi32> -> vector<16xi32>
    %min3A_51 = arith.minsi %min3A, %gather3A_50 : vector<16xi32>
    %xor3A_52 = arith.constant 4 : i32
    %xor3A_53 = vector.broadcast %xor3A_52 : i32 to vector<16xi32>
    %xor3A_54 = arith.xori %iota3A_38, %xor3A_53 : vector<16xi32>
    %broadcast_in_dim3A_55 = vector.shape_cast %xor3A_54 : vector<16xi32> to vector<16x1xi32>
    %gather3A_56 = vector.shape_cast %broadcast_in_dim3A_55 : vector<16x1xi32> to vector<16xi32>
    %gather3A_57 = tpu.dynamic_gather %min3A_51[%gather3A_56] in [0] : vector<16xi32>, vector<16xi32> -> vector<16xi32>
    %min3A_58 = arith.minsi %min3A_51, %gather3A_57 : vector<16xi32>
    %xor3A_59 = arith.constant 8 : i32
    %xor3A_60 = vector.broadcast %xor3A_59 : i32 to vector<16xi32>
    %xor3A_61 = arith.xori %iota3A_38, %xor3A_60 : vector<16xi32>
    %broadcast_in_dim3A_62 = vector.shape_cast %xor3A_61 : vector<16xi32> to vector<16x1xi32>
    %gather3A_63 = vector.shape_cast %broadcast_in_dim3A_62 : vector<16x1xi32> to vector<16xi32>
    %gather3A_64 = tpu.dynamic_gather %min3A_58[%gather3A_63] in [0] : vector<16xi32>, vector<16xi32> -> vector<16xi32>
    %min3A_65 = arith.minsi %min3A_58, %gather3A_64 : vector<16xi32>
    %eq3A_66 = arith.cmpi eq, %scan3A_9#3, %min3A_65 : vector<16xi32>
    %and3A = arith.andi %eq3A, %eq3A_66 : vector<16xi1>
    %select_n3A_67 = arith.select %and3A, %scan3A_9#1, %scan3A_9#0 : vector<16xi1>, vector<16xf32>
    %select_n3A_68 = arith.select %and3A, %scan3A_9#4, %scan3A_9#3 : vector<16xi1>, vector<16xi32>
    %select_n3A_69 = arith.select %and3A, %scan3A_9#2, %scan3A_9#1 : vector<16xi1>, vector<16xf32>
    %select_n3A_70 = arith.select %and3A, %scan3A_9#5, %scan3A_9#4 : vector<16xi1>, vector<16xi32>
    %jit3A_71 = arith.constant 0xFF800000 : f32
    %broadcast_in_dim3A_72 = vector.broadcast %jit3A_71 : f32 to vector<16xf32>
    %select_n3A_73 = arith.select %and3A, %broadcast_in_dim3A_72, %scan3A_9#2 : vector<16xi1>, vector<16xf32>
    %iota3A_74 = tpu.iota {dimensions = array<i32: 0>} : vector<16xi32>
    %xor3A_75 = arith.constant 1 : i32
    %xor3A_76 = vector.broadcast %xor3A_75 : i32 to vector<16xi32>
    %xor3A_77 = arith.xori %iota3A_74, %xor3A_76 : vector<16xi32>
    %broadcast_in_dim3A_78 = vector.shape_cast %xor3A_77 : vector<16xi32> to vector<16x1xi32>
    %gather3A_79 = vector.shape_cast %broadcast_in_dim3A_78 : vector<16x1xi32> to vector<16xi32>
    %gather3A_80 = tpu.dynamic_gather %select_n3A_67[%gather3A_79] in [0] : vector<16xf32>, vector<16xi32> -> vector<16xf32>
    %max3A_81 = arith.maximumf %select_n3A_67, %gather3A_80 : vector<16xf32>
    %xor3A_82 = arith.constant 2 : i32
    %xor3A_83 = vector.broadcast %xor3A_82 : i32 to vector<16xi32>
    %xor3A_84 = arith.xori %iota3A_74, %xor3A_83 : vector<16xi32>
    %broadcast_in_dim3A_85 = vector.shape_cast %xor3A_84 : vector<16xi32> to vector<16x1xi32>
    %gather3A_86 = vector.shape_cast %broadcast_in_dim3A_85 : vector<16x1xi32> to vector<16xi32>
    %gather3A_87 = tpu.dynamic_gather %max3A_81[%gather3A_86] in [0] : vector<16xf32>, vector<16xi32> -> vector<16xf32>
    %max3A_88 = arith.maximumf %max3A_81, %gather3A_87 : vector<16xf32>
    %xor3A_89 = arith.constant 4 : i32
    %xor3A_90 = vector.broadcast %xor3A_89 : i32 to vector<16xi32>
    %xor3A_91 = arith.xori %iota3A_74, %xor3A_90 : vector<16xi32>
    %broadcast_in_dim3A_92 = vector.shape_cast %xor3A_91 : vector<16xi32> to vector<16x1xi32>
    %gather3A_93 = vector.shape_cast %broadcast_in_dim3A_92 : vector<16x1xi32> to vector<16xi32>
    %gather3A_94 = tpu.dynamic_gather %max3A_88[%gather3A_93] in [0] : vector<16xf32>, vector<16xi32> -> vector<16xf32>
    %max3A_95 = arith.maximumf %max3A_88, %gather3A_94 : vector<16xf32>
    %xor3A_96 = arith.constant 8 : i32
    %xor3A_97 = vector.broadcast %xor3A_96 : i32 to vector<16xi32>
    %xor3A_98 = arith.xori %iota3A_74, %xor3A_97 : vector<16xi32>
    %broadcast_in_dim3A_99 = vector.shape_cast %xor3A_98 : vector<16xi32> to vector<16x1xi32>
    %gather3A_100 = vector.shape_cast %broadcast_in_dim3A_99 : vector<16x1xi32> to vector<16xi32>
    %gather3A_101 = tpu.dynamic_gather %max3A_95[%gather3A_100] in [0] : vector<16xf32>, vector<16xi32> -> vector<16xf32>
    %max3A_102 = arith.maximumf %max3A_95, %gather3A_101 : vector<16xf32>
    %eq3A_103 = arith.cmpf oeq, %select_n3A_67, %max3A_102 : vector<16xf32>
    %jit3A_104 = arith.constant 2147483647 : i32
    %broadcast_in_dim3A_105 = vector.broadcast %jit3A_104 : i32 to vector<16xi32>
    %select_n3A_106 = arith.select %eq3A_103, %select_n3A_68, %broadcast_in_dim3A_105 : vector<16xi1>, vector<16xi32>
    %iota3A_107 = tpu.iota {dimensions = array<i32: 0>} : vector<16xi32>
    %xor3A_108 = arith.constant 1 : i32
    %xor3A_109 = vector.broadcast %xor3A_108 : i32 to vector<16xi32>
    %xor3A_110 = arith.xori %iota3A_107, %xor3A_109 : vector<16xi32>
    %broadcast_in_dim3A_111 = vector.shape_cast %xor3A_110 : vector<16xi32> to vector<16x1xi32>
    %gather3A_112 = vector.shape_cast %broadcast_in_dim3A_111 : vector<16x1xi32> to vector<16xi32>
    %gather3A_113 = tpu.dynamic_gather %select_n3A_106[%gather3A_112] in [0] : vector<16xi32>, vector<16xi32> -> vector<16xi32>
    %min3A_114 = arith.minsi %select_n3A_106, %gather3A_113 : vector<16xi32>
    %xor3A_115 = arith.constant 2 : i32
    %xor3A_116 = vector.broadcast %xor3A_115 : i32 to vector<16xi32>
    %xor3A_117 = arith.xori %iota3A_107, %xor3A_116 : vector<16xi32>
    %broadcast_in_dim3A_118 = vector.shape_cast %xor3A_117 : vector<16xi32> to vector<16x1xi32>
    %gather3A_119 = vector.shape_cast %broadcast_in_dim3A_118 : vector<16x1xi32> to vector<16xi32>
    %gather3A_120 = tpu.dynamic_gather %min3A_114[%gather3A_119] in [0] : vector<16xi32>, vector<16xi32> -> vector<16xi32>
    %min3A_121 = arith.minsi %min3A_114, %gather3A_120 : vector<16xi32>
    %xor3A_122 = arith.constant 4 : i32
    %xor3A_123 = vector.broadcast %xor3A_122 : i32 to vector<16xi32>
    %xor3A_124 = arith.xori %iota3A_107, %xor3A_123 : vector<16xi32>
    %broadcast_in_dim3A_125 = vector.shape_cast %xor3A_124 : vector<16xi32> to vector<16x1xi32>
    %gather3A_126 = vector.shape_cast %broadcast_in_dim3A_125 : vector<16x1xi32> to vector<16xi32>
    %gather3A_127 = tpu.dynamic_gather %min3A_121[%gather3A_126] in [0] : vector<16xi32>, vector<16xi32> -> vector<16xi32>
    %min3A_128 = arith.minsi %min3A_121, %gather3A_127 : vector<16xi32>
    %xor3A_129 = arith.constant 8 : i32
    %xor3A_130 = vector.broadcast %xor3A_129 : i32 to vector<16xi32>
    %xor3A_131 = arith.xori %iota3A_107, %xor3A_130 : vector<16xi32>
    %broadcast_in_dim3A_132 = vector.shape_cast %xor3A_131 : vector<16xi32> to vector<16x1xi32>
    %gather3A_133 = vector.shape_cast %broadcast_in_dim3A_132 : vector<16x1xi32> to vector<16xi32>
    %gather3A_134 = tpu.dynamic_gather %min3A_128[%gather3A_133] in [0] : vector<16xi32>, vector<16xi32> -> vector<16xi32>
    %min3A_135 = arith.minsi %min3A_128, %gather3A_134 : vector<16xi32>
    %eq3A_136 = arith.cmpi eq, %select_n3A_68, %min3A_135 : vector<16xi32>
    %and3A_137 = arith.andi %eq3A_103, %eq3A_136 : vector<16xi1>
    %select_n3A_138 = arith.select %and3A_137, %select_n3A_69, %select_n3A_67 : vector<16xi1>, vector<16xf32>
    %select_n3A_139 = arith.select %and3A_137, %select_n3A_70, %select_n3A_68 : vector<16xi1>, vector<16xi32>
    %select_n3A_140 = arith.select %and3A_137, %select_n3A_73, %select_n3A_69 : vector<16xi1>, vector<16xf32>
    %select_n3A_141 = arith.select %and3A_137, %scan3A_9#5, %select_n3A_70 : vector<16xi1>, vector<16xi32>
    %jit3A_142 = arith.constant 0xFF800000 : f32
    %broadcast_in_dim3A_143 = vector.broadcast %jit3A_142 : f32 to vector<16xf32>
    %select_n3A_144 = arith.select %and3A_137, %broadcast_in_dim3A_143, %select_n3A_73 : vector<16xi1>, vector<16xf32>
    %iota3A_145 = tpu.iota {dimensions = array<i32: 0>} : vector<16xi32>
    %xor3A_146 = arith.constant 1 : i32
    %xor3A_147 = vector.broadcast %xor3A_146 : i32 to vector<16xi32>
    %xor3A_148 = arith.xori %iota3A_145, %xor3A_147 : vector<16xi32>
    %broadcast_in_dim3A_149 = vector.shape_cast %xor3A_148 : vector<16xi32> to vector<16x1xi32>
    %gather3A_150 = vector.shape_cast %broadcast_in_dim3A_149 : vector<16x1xi32> to vector<16xi32>
    %gather3A_151 = tpu.dynamic_gather %select_n3A_138[%gather3A_150] in [0] : vector<16xf32>, vector<16xi32> -> vector<16xf32>
    %max3A_152 = arith.maximumf %select_n3A_138, %gather3A_151 : vector<16xf32>
    %xor3A_153 = arith.constant 2 : i32
    %xor3A_154 = vector.broadcast %xor3A_153 : i32 to vector<16xi32>
    %xor3A_155 = arith.xori %iota3A_145, %xor3A_154 : vector<16xi32>
    %broadcast_in_dim3A_156 = vector.shape_cast %xor3A_155 : vector<16xi32> to vector<16x1xi32>
    %gather3A_157 = vector.shape_cast %broadcast_in_dim3A_156 : vector<16x1xi32> to vector<16xi32>
    %gather3A_158 = tpu.dynamic_gather %max3A_152[%gather3A_157] in [0] : vector<16xf32>, vector<16xi32> -> vector<16xf32>
    %max3A_159 = arith.maximumf %max3A_152, %gather3A_158 : vector<16xf32>
    %xor3A_160 = arith.constant 4 : i32
    %xor3A_161 = vector.broadcast %xor3A_160 : i32 to vector<16xi32>
    %xor3A_162 = arith.xori %iota3A_145, %xor3A_161 : vector<16xi32>
    %broadcast_in_dim3A_163 = vector.shape_cast %xor3A_162 : vector<16xi32> to vector<16x1xi32>
    %gather3A_164 = vector.shape_cast %broadcast_in_dim3A_163 : vector<16x1xi32> to vector<16xi32>
    %gather3A_165 = tpu.dynamic_gather %max3A_159[%gather3A_164] in [0] : vector<16xf32>, vector<16xi32> -> vector<16xf32>
    %max3A_166 = arith.maximumf %max3A_159, %gather3A_165 : vector<16xf32>
    %xor3A_167 = arith.constant 8 : i32
    %xor3A_168 = vector.broadcast %xor3A_167 : i32 to vector<16xi32>
    %xor3A_169 = arith.xori %iota3A_145, %xor3A_168 : vector<16xi32>
    %broadcast_in_dim3A_170 = vector.shape_cast %xor3A_169 : vector<16xi32> to vector<16x1xi32>
    %gather3A_171 = vector.shape_cast %broadcast_in_dim3A_170 : vector<16x1xi32> to vector<16xi32>
    %gather3A_172 = tpu.dynamic_gather %max3A_166[%gather3A_171] in [0] : vector<16xf32>, vector<16xi32> -> vector<16xf32>
    %max3A_173 = arith.maximumf %max3A_166, %gather3A_172 : vector<16xf32>
    %eq3A_174 = arith.cmpf oeq, %select_n3A_138, %max3A_173 : vector<16xf32>
    %jit3A_175 = arith.constant 2147483647 : i32
    %broadcast_in_dim3A_176 = vector.broadcast %jit3A_175 : i32 to vector<16xi32>
    %select_n3A_177 = arith.select %eq3A_174, %select_n3A_139, %broadcast_in_dim3A_176 : vector<16xi1>, vector<16xi32>
    %iota3A_178 = tpu.iota {dimensions = array<i32: 0>} : vector<16xi32>
    %xor3A_179 = arith.constant 1 : i32
    %xor3A_180 = vector.broadcast %xor3A_179 : i32 to vector<16xi32>
    %xor3A_181 = arith.xori %iota3A_178, %xor3A_180 : vector<16xi32>
    %broadcast_in_dim3A_182 = vector.shape_cast %xor3A_181 : vector<16xi32> to vector<16x1xi32>
    %gather3A_183 = vector.shape_cast %broadcast_in_dim3A_182 : vector<16x1xi32> to vector<16xi32>
    %gather3A_184 = tpu.dynamic_gather %select_n3A_177[%gather3A_183] in [0] : vector<16xi32>, vector<16xi32> -> vector<16xi32>
    %min3A_185 = arith.minsi %select_n3A_177, %gather3A_184 : vector<16xi32>
    %xor3A_186 = arith.constant 2 : i32
    %xor3A_187 = vector.broadcast %xor3A_186 : i32 to vector<16xi32>
    %xor3A_188 = arith.xori %iota3A_178, %xor3A_187 : vector<16xi32>
    %broadcast_in_dim3A_189 = vector.shape_cast %xor3A_188 : vector<16xi32> to vector<16x1xi32>
    %gather3A_190 = vector.shape_cast %broadcast_in_dim3A_189 : vector<16x1xi32> to vector<16xi32>
    %gather3A_191 = tpu.dynamic_gather %min3A_185[%gather3A_190] in [0] : vector<16xi32>, vector<16xi32> -> vector<16xi32>
    %min3A_192 = arith.minsi %min3A_185, %gather3A_191 : vector<16xi32>
    %xor3A_193 = arith.constant 4 : i32
    %xor3A_194 = vector.broadcast %xor3A_193 : i32 to vector<16xi32>
    %xor3A_195 = arith.xori %iota3A_178, %xor3A_194 : vector<16xi32>
    %broadcast_in_dim3A_196 = vector.shape_cast %xor3A_195 : vector<16xi32> to vector<16x1xi32>
    %gather3A_197 = vector.shape_cast %broadcast_in_dim3A_196 : vector<16x1xi32> to vector<16xi32>
    %gather3A_198 = tpu.dynamic_gather %min3A_192[%gather3A_197] in [0] : vector<16xi32>, vector<16xi32> -> vector<16xi32>
    %min3A_199 = arith.minsi %min3A_192, %gather3A_198 : vector<16xi32>
    %xor3A_200 = arith.constant 8 : i32
    %xor3A_201 = vector.broadcast %xor3A_200 : i32 to vector<16xi32>
    %xor3A_202 = arith.xori %iota3A_178, %xor3A_201 : vector<16xi32>
    %broadcast_in_dim3A_203 = vector.shape_cast %xor3A_202 : vector<16xi32> to vector<16x1xi32>
    %gather3A_204 = vector.shape_cast %broadcast_in_dim3A_203 : vector<16x1xi32> to vector<16xi32>
    %gather3A_205 = tpu.dynamic_gather %min3A_199[%gather3A_204] in [0] : vector<16xi32>, vector<16xi32> -> vector<16xi32>
    %min3A_206 = arith.minsi %min3A_199, %gather3A_205 : vector<16xi32>
    %eq3A_207 = arith.cmpi eq, %select_n3A_139, %min3A_206 : vector<16xi32>
    %and3A_208 = arith.andi %eq3A_174, %eq3A_207 : vector<16xi1>
    %select_n3A_209 = arith.select %and3A_208, %select_n3A_140, %select_n3A_138 : vector<16xi1>, vector<16xf32>
    %select_n3A_210 = arith.select %and3A_208, %select_n3A_141, %select_n3A_139 : vector<16xi1>, vector<16xi32>
    %select_n3A_211 = arith.select %and3A_208, %select_n3A_144, %select_n3A_140 : vector<16xi1>, vector<16xf32>
    %select_n3A_212 = arith.select %and3A_208, %scan3A_9#5, %select_n3A_141 : vector<16xi1>, vector<16xi32>
    %jit3A_213 = arith.constant 0xFF800000 : f32
    %broadcast_in_dim3A_214 = vector.broadcast %jit3A_213 : f32 to vector<16xf32>
    %select_n3A_215 = arith.select %and3A_208, %broadcast_in_dim3A_214, %select_n3A_144 : vector<16xi1>, vector<16xf32>
    %broadcast_in_dim3A_216 = arith.constant 0xFF800000 : f32
    %broadcast_in_dim3A_217 = vector.broadcast %broadcast_in_dim3A_216 : f32 to vector<16xf32>
    %iota3A_218 = tpu.iota {dimensions = array<i32: 0>} : vector<16xi32>
    %eq3A_219 = arith.constant 0 : i32
    %eq3A_220 = vector.broadcast %eq3A_219 : i32 to vector<16xi32>
    %eq3A_221 = arith.cmpi eq, %iota3A_218, %eq3A_220 : vector<16xi32>
    %select_n3A_222 = arith.select %eq3A_221, %max3A_36, %broadcast_in_dim3A_217 : vector<16xi1>, vector<16xf32>
    %eq3A_223 = arith.constant 1 : i32
    %eq3A_224 = vector.broadcast %eq3A_223 : i32 to vector<16xi32>
    %eq3A_225 = arith.cmpi eq, %iota3A_218, %eq3A_224 : vector<16xi32>
    %select_n3A_226 = arith.select %eq3A_225, %max3A_102, %select_n3A_222 : vector<16xi1>, vector<16xf32>
    %eq3A_227 = arith.constant 2 : i32
    %eq3A_228 = vector.broadcast %eq3A_227 : i32 to vector<16xi32>
    %eq3A_229 = arith.cmpi eq, %iota3A_218, %eq3A_228 : vector<16xi32>
    %select_n3A_230 = arith.select %eq3A_229, %max3A_173, %select_n3A_226 : vector<16xi1>, vector<16xf32>
    %swap3A = arith.constant 0 : index
    %swap3A_231 = tpu.vector_load %arg6[%swap3A] {strides = array<i32>} : memref<16xf32, #tpu.memory_space<vmem>>, vector<16xf32>,
    %swap3A_232 = vector.shape_cast %swap3A_231 : vector<16xf32> to vector<16xf32>
    %swap3A_233 = vector.shape_cast %select_n3A_230 : vector<16xf32> to vector<16xf32>
    tpu.vector_store %arg6[%swap3A], %swap3A_233 {strides = array<i32>} : memref<16xf32, #tpu.memory_space<vmem>>, vector<16xf32>,
    %broadcast_in_dim3A_234 = arith.constant 0 : i32
    %broadcast_in_dim3A_235 = vector.broadcast %broadcast_in_dim3A_234 : i32 to vector<16xi32>
    %iota3A_236 = tpu.iota {dimensions = array<i32: 0>} : vector<16xi32>
    %eq3A_237 = arith.constant 0 : i32
    %eq3A_238 = vector.broadcast %eq3A_237 : i32 to vector<16xi32>
    %eq3A_239 = arith.cmpi eq, %iota3A_236, %eq3A_238 : vector<16xi32>
    %select_n3A_240 = arith.select %eq3A_239, %min3A_65, %broadcast_in_dim3A_235 : vector<16xi1>, vector<16xi32>
    %eq3A_241 = arith.constant 1 : i32
    %eq3A_242 = vector.broadcast %eq3A_241 : i32 to vector<16xi32>
    %eq3A_243 = arith.cmpi eq, %iota3A_236, %eq3A_242 : vector<16xi32>
    %select_n3A_244 = arith.select %eq3A_243, %min3A_135, %select_n3A_240 : vector<16xi1>, vector<16xi32>
    %eq3A_245 = arith.constant 2 : i32
    %eq3A_246 = vector.broadcast %eq3A_245 : i32 to vector<16xi32>
    %eq3A_247 = arith.cmpi eq, %iota3A_236, %eq3A_246 : vector<16xi32>
    %select_n3A_248 = arith.select %eq3A_247, %min3A_206, %select_n3A_244 : vector<16xi1>, vector<16xi32>
    %swap3A_249 = arith.constant 0 : index
    %swap3A_250 = tpu.vector_load %arg7[%swap3A_249] {strides = array<i32>} : memref<16xi32, #tpu.memory_space<vmem>>, vector<16xi32>,
    %swap3A_251 = vector.shape_cast %swap3A_250 : vector<16xi32> to vector<16xi32>
    %swap3A_252 = vector.shape_cast %select_n3A_248 : vector<16xi32> to vector<16xi32>
    tpu.vector_store %arg7[%swap3A_249], %swap3A_252 {strides = array<i32>} : memref<16xi32, #tpu.memory_space<vmem>>, vector<16xi32>,
    "tpu.region"() ({
      %run_scoped3A = tpu.sem_alloc : memref<!tpu.dma_semaphore, #tpu.memory_space<semaphore_mem>>
      %dma_start3A = arith.constant 0 : i32
      %dma_start3A_253 = tpu.memref_slice %arg3[%add3A, %dma_start3A] : memref<32x16xf32, #tpu.memory_space<hbm>> -> memref<1x16xf32, #tpu.memory_space<hbm>>
      %dma_start3A_254 = tpu.memref_squeeze %dma_start3A_253 : memref<1x16xf32, #tpu.memory_space<hbm>> -> memref<16xf32, #tpu.memory_space<hbm>>
      %dma_start3A_255 = arith.constant 0 : i32
      %dma_start3A_256 = tpu.memref_slice %arg3[%add3A, %dma_start3A_255] : memref<32x16xf32, #tpu.memory_space<hbm>> -> memref<1x16xf32, #tpu.memory_space<hbm>>
      %dma_start3A_257 = tpu.memref_squeeze %dma_start3A_256 : memref<1x16xf32, #tpu.memory_space<hbm>> -> memref<16xf32, #tpu.memory_space<hbm>>
      tpu.enqueue_dma source(%arg6 : memref<16xf32, #tpu.memory_space<vmem>>) target(%dma_start3A_257 : memref<16xf32, #tpu.memory_space<hbm>>) target_semaphore(%run_scoped3A : memref<!tpu.dma_semaphore, #tpu.memory_space<semaphore_mem>>)
      %dma_wait3A = arith.constant 0 : i32
      %dma_wait3A_258 = tpu.memref_slice %arg3[%add3A, %dma_wait3A] : memref<32x16xf32, #tpu.memory_space<hbm>> -> memref<1x16xf32, #tpu.memory_space<hbm>>
      %dma_wait3A_259 = tpu.memref_squeeze %dma_wait3A_258 : memref<1x16xf32, #tpu.memory_space<hbm>> -> memref<16xf32, #tpu.memory_space<hbm>>
      %dma_wait3A_260 = arith.constant 0 : i32
      %dma_wait3A_261 = tpu.memref_slice %arg3[%add3A, %dma_wait3A_260] : memref<32x16xf32, #tpu.memory_space<hbm>> -> memref<1x16xf32, #tpu.memory_space<hbm>>
      %dma_wait3A_262 = tpu.memref_squeeze %dma_wait3A_261 : memref<1x16xf32, #tpu.memory_space<hbm>> -> memref<16xf32, #tpu.memory_space<hbm>>
      tpu.wait_dma2 semaphore(%run_scoped3A : memref<!tpu.dma_semaphore, #tpu.memory_space<semaphore_mem>>) src(%arg6 : memref<16xf32, #tpu.memory_space<vmem>>) dst(%dma_wait3A_262 : memref<16xf32, #tpu.memory_space<hbm>>)
      tpu.yield
    }) : () -> ()
    "tpu.region"() ({
      %run_scoped3A = tpu.sem_alloc : memref<!tpu.dma_semaphore, #tpu.memory_space<semaphore_mem>>
      %dma_start3A = arith.constant 0 : i32
      %dma_start3A_253 = tpu.memref_slice %arg4[%add3A, %dma_start3A] : memref<32x16xi32, #tpu.memory_space<hbm>> -> memref<1x16xi32, #tpu.memory_space<hbm>>
      %dma_start3A_254 = tpu.memref_squeeze %dma_start3A_253 : memref<1x16xi32, #tpu.memory_space<hbm>> -> memref<16xi32, #tpu.memory_space<hbm>>
      %dma_start3A_255 = arith.constant 0 : i32
      %dma_start3A_256 = tpu.memref_slice %arg4[%add3A, %dma_start3A_255] : memref<32x16xi32, #tpu.memory_space<hbm>> -> memref<1x16xi32, #tpu.memory_space<hbm>>
      %dma_start3A_257 = tpu.memref_squeeze %dma_start3A_256 : memref<1x16xi32, #tpu.memory_space<hbm>> -> memref<16xi32, #tpu.memory_space<hbm>>
      tpu.enqueue_dma source(%arg7 : memref<16xi32, #tpu.memory_space<vmem>>) target(%dma_start3A_257 : memref<16xi32, #tpu.memory_space<hbm>>) target_semaphore(%run_scoped3A : memref<!tpu.dma_semaphore, #tpu.memory_space<semaphore_mem>>)
      %dma_wait3A = arith.constant 0 : i32
      %dma_wait3A_258 = tpu.memref_slice %arg4[%add3A, %dma_wait3A] : memref<32x16xi32, #tpu.memory_space<hbm>> -> memref<1x16xi32, #tpu.memory_space<hbm>>
      %dma_wait3A_259 = tpu.memref_squeeze %dma_wait3A_258 : memref<1x16xi32, #tpu.memory_space<hbm>> -> memref<16xi32, #tpu.memory_space<hbm>>
      %dma_wait3A_260 = arith.constant 0 : i32
      %dma_wait3A_261 = tpu.memref_slice %arg4[%add3A, %dma_wait3A_260] : memref<32x16xi32, #tpu.memory_space<hbm>> -> memref<1x16xi32, #tpu.memory_space<hbm>>
      %dma_wait3A_262 = tpu.memref_squeeze %dma_wait3A_261 : memref<1x16xi32, #tpu.memory_space<hbm>> -> memref<16xi32, #tpu.memory_space<hbm>>
      tpu.wait_dma2 semaphore(%run_scoped3A : memref<!tpu.dma_semaphore, #tpu.memory_space<semaphore_mem>>) src(%arg7 : memref<16xi32, #tpu.memory_space<vmem>>) dst(%dma_wait3A_262 : memref<16xi32, #tpu.memory_space<hbm>>)
      tpu.yield
    }) : () -> ()
    return
  }
}

module attributes {stable_mosaic.version = 14 : i64} {
  func.func @_tc1_body(%arg0: i32, %arg1: memref<1x1024xf32, #tpu.memory_space<vmem>>, %arg2: memref<1024x1024xf32, #tpu.memory_space<vmem>>, %arg3: memref<1x1024xf32, #tpu.memory_space<vmem>>, %arg4: memref<1024x1024xf32, #tpu.memory_space<vmem>>, %arg5: memref<1x1024xf32, #tpu.memory_space<vmem>>, %arg6: memref<1024x512xf32, #tpu.memory_space<vmem>>, %arg7: memref<1x512xf32, #tpu.memory_space<vmem>>, %arg8: memref<4096x512xf32, #tpu.memory_space<vmem>>, %arg9: memref<1x1x4096xf32, #tpu.memory_space<vmem>>, %arg10: memref<1024x1024xf32, #tpu.memory_space<vmem>>, %arg11: memref<1x1024xf32, #tpu.memory_space<vmem>>, %arg12: memref<1x1x4096xf32, #tpu.memory_space<vmem>>, %arg13: memref<1x1024xf32, #tpu.memory_space<vmem>>, %arg14: memref<1x512xf32, #tpu.memory_space<vmem>>) attributes {dimension_semantics = [#tpu.dimension_semantics<arbitrary>], iteration_bounds = array<i64: 16>, scalar_prefetch = 0 : i64, scratch_operands = 1 : i64, tpu.core_type = #tpu.core_type<tc>, window_params = [{pipeline_mode = #tpu.pipeline_mode<synchronous>, transform_indices = @transform_0, window_bounds = array<i64: 1, 1024>}, {pipeline_mode = #tpu.pipeline_mode<synchronous>, transform_indices = @transform_1, window_bounds = array<i64: 1024, 1024>}, {pipeline_mode = #tpu.pipeline_mode<synchronous>, transform_indices = @transform_2, window_bounds = array<i64: 1, 1024>}, {pipeline_mode = #tpu.pipeline_mode<synchronous>, transform_indices = @transform_3, window_bounds = array<i64: 1024, 1024>}, {pipeline_mode = #tpu.pipeline_mode<synchronous>, transform_indices = @transform_4, window_bounds = array<i64: 1, 1024>}, {pipeline_mode = #tpu.pipeline_mode<synchronous>, transform_indices = @transform_5, window_bounds = array<i64: 1024, 512>}, {pipeline_mode = #tpu.pipeline_mode<synchronous>, transform_indices = @transform_6, window_bounds = array<i64: 1, 512>}, {transform_indices = @transform_7, window_bounds = array<i64: 4096, 512>}, {transform_indices = @transform_8, window_bounds = array<i64: 1, 1, 4096>}, {pipeline_mode = #tpu.pipeline_mode<synchronous>, transform_indices = @transform_9, window_bounds = array<i64: 1024, 1024>}, {pipeline_mode = #tpu.pipeline_mode<synchronous>, transform_indices = @transform_10, window_bounds = array<i64: 1, 1024>}, {transform_indices = @transform_11, window_bounds = array<i64: 1, 1, 4096>}, {pipeline_mode = #tpu.pipeline_mode<synchronous>, transform_indices = @transform_12, window_bounds = array<i64: 1, 1024>}]} {
    %eq3A = arith.constant 0 : i32
    %eq3A_0 = arith.cmpi eq, %arg0, %eq3A : i32
    %convert_element_type3A = arith.extui %eq3A_0 : i1 to i32
    %cond3A = arith.constant 0 : i32
    %cond3A_1 = arith.cmpi ne, %convert_element_type3A, %cond3A : i32
    scf.if %cond3A_1 {
      %get3A_22 = arith.constant 0 : index
      %get3A_23 = arith.constant 0 : index
      %get3A_24 = vector.load %arg1[%get3A_22, %get3A_23] : memref<1x1024xf32, #tpu.memory_space<vmem>>, vector<1x1024xf32>
      %get3A_25 = arith.constant 0 : index
      %get3A_26 = arith.constant 0 : index
      %get3A_27 = vector.load %arg2[%get3A_25, %get3A_26] : memref<1024x1024xf32, #tpu.memory_space<vmem>>, vector<1024x1024xf32>
      %dot_general3A_28 = arith.constant dense<0.000000e+00> : vector<1x1024xf32>
      %dot_general3A_29 = tpu.matmul %get3A_24, %get3A_27, %dot_general3A_28 {dimension_numbers = #tpu.dot_dimension_numbers<[1], [0], [0], [1], [0, 0, 1, 1], [], []>, transpose_lhs_hint = false} : vector<1x1024xf32>, vector<1024x1024xf32>, vector<1x1024xf32> -> vector<1x1024xf32>
      %get3A_30 = arith.constant 0 : index
      %get3A_31 = arith.constant 0 : index
      %get3A_32 = vector.load %arg3[%get3A_30, %get3A_31] : memref<1x1024xf32, #tpu.memory_space<vmem>>, vector<1x1024xf32>
      %add3A = arith.addf %dot_general3A_29, %get3A_32 : vector<1x1024xf32>
      %max3A_33 = arith.constant 0.000000e+00 : f32
      %max3A_34 = vector.broadcast %max3A_33 : f32 to vector<1x1024xf32>
      %max3A_35 = arith.maximumf %add3A, %max3A_34 : vector<1x1024xf32>
      %get3A_36 = arith.constant 0 : index
      %get3A_37 = arith.constant 0 : index
      %get3A_38 = vector.load %arg4[%get3A_36, %get3A_37] : memref<1024x1024xf32, #tpu.memory_space<vmem>>, vector<1024x1024xf32>
      %dot_general3A_39 = arith.constant dense<0.000000e+00> : vector<1x1024xf32>
      %dot_general3A_40 = tpu.matmul %max3A_35, %get3A_38, %dot_general3A_39 {dimension_numbers = #tpu.dot_dimension_numbers<[1], [0], [0], [1], [0, 0, 1, 1], [], []>, transpose_lhs_hint = false} : vector<1x1024xf32>, vector<1024x1024xf32>, vector<1x1024xf32> -> vector<1x1024xf32>
      %get3A_41 = arith.constant 0 : index
      %get3A_42 = arith.constant 0 : index
      %get3A_43 = vector.load %arg5[%get3A_41, %get3A_42] : memref<1x1024xf32, #tpu.memory_space<vmem>>, vector<1x1024xf32>
      %add3A_44 = arith.addf %dot_general3A_40, %get3A_43 : vector<1x1024xf32>
      %get3A_45 = arith.constant 0 : index
      %get3A_46 = arith.constant 0 : index
      %get3A_47 = vector.load %arg10[%get3A_45, %get3A_46] : memref<1024x1024xf32, #tpu.memory_space<vmem>>, vector<1024x1024xf32>
      %dot_general3A_48 = arith.constant dense<0.000000e+00> : vector<1x1024xf32>
      %dot_general3A_49 = tpu.matmul %add3A_44, %get3A_47, %dot_general3A_48 {dimension_numbers = #tpu.dot_dimension_numbers<[1], [0], [0], [1], [0, 0, 1, 1], [], []>, transpose_lhs_hint = false} : vector<1x1024xf32>, vector<1024x1024xf32>, vector<1x1024xf32> -> vector<1x1024xf32>
      %get3A_50 = arith.constant 0 : index
      %get3A_51 = arith.constant 0 : index
      %get3A_52 = vector.load %arg11[%get3A_50, %get3A_51] : memref<1x1024xf32, #tpu.memory_space<vmem>>, vector<1x1024xf32>
      %add3A_53 = arith.addf %dot_general3A_49, %get3A_52 : vector<1x1024xf32>
      %swap3A_54 = arith.constant 0 : index
      %swap3A_55 = arith.constant 0 : index
      %swap3A_56 = vector.load %arg13[%swap3A_54, %swap3A_55] : memref<1x1024xf32, #tpu.memory_space<vmem>>, vector<1x1024xf32>
      tpu.vector_store %arg13[%swap3A_54, %swap3A_55], %add3A_53 {strides = array<i32>} : memref<1x1024xf32, #tpu.memory_space<vmem>>, vector<1x1024xf32>,
      %get3A_57 = arith.constant 0 : index
      %get3A_58 = arith.constant 0 : index
      %get3A_59 = vector.load %arg6[%get3A_57, %get3A_58] : memref<1024x512xf32, #tpu.memory_space<vmem>>, vector<1024x512xf32>
      %dot_general3A_60 = arith.constant dense<0.000000e+00> : vector<1x512xf32>
      %dot_general3A_61 = tpu.matmul %add3A_44, %get3A_59, %dot_general3A_60 {dimension_numbers = #tpu.dot_dimension_numbers<[1], [0], [0], [1], [0, 0, 1, 1], [], []>, transpose_lhs_hint = false} : vector<1x1024xf32>, vector<1024x512xf32>, vector<1x512xf32> -> vector<1x512xf32>
      %get3A_62 = arith.constant 0 : index
      %get3A_63 = arith.constant 0 : index
      %get3A_64 = vector.load %arg7[%get3A_62, %get3A_63] : memref<1x512xf32, #tpu.memory_space<vmem>>, vector<1x512xf32>
      %add3A_65 = arith.addf %dot_general3A_61, %get3A_64 : vector<1x512xf32>
      %mul3A_66 = arith.mulf %add3A_65, %add3A_65 : vector<1x512xf32>
      %reduce_sum3A = vector.shape_cast %mul3A_66 : vector<1x512xf32> to vector<1x1x512xf32>
      %reduce_sum3A_67 = arith.constant dense<0.000000e+00> : vector<1xf32>
      %reduce_sum3A_68 = vector.multi_reduction <add>, %reduce_sum3A, %reduce_sum3A_67 [1, 2] : vector<1x1x512xf32> to vector<1xf32>
      %reduce_sum3A_69 = vector.shape_cast %reduce_sum3A_68 : vector<1xf32> to vector<1x1x1xf32>
      %reduce_sum3A_70 = vector.extract %reduce_sum3A_69[0, 0, 0] : f32 from vector<1x1x1xf32>
      %sqrt3A_71 = math.sqrt %reduce_sum3A_70 : f32
      %max3A_72 = arith.constant 9.99999996E-13 : f32
      %max3A_73 = arith.maximumf %sqrt3A_71, %max3A_72 : f32
      %div3A_74 = vector.broadcast %max3A_73 : f32 to vector<1x512xf32>
      %div3A_75 = arith.divf %add3A_65, %div3A_74 : vector<1x512xf32>
      %swap3A_76 = arith.constant 0 : index
      %swap3A_77 = arith.constant 0 : index
      %swap3A_78 = vector.load %arg14[%swap3A_76, %swap3A_77] : memref<1x512xf32, #tpu.memory_space<vmem>>, vector<1x512xf32>
      tpu.vector_store %arg14[%swap3A_76, %swap3A_77], %div3A_75 {strides = array<i32>} : memref<1x512xf32, #tpu.memory_space<vmem>>, vector<1x512xf32>,
    } else {
    }
    %get3A = arith.constant 0 : index
    %get3A_2 = arith.constant 0 : index
    %get3A_3 = vector.load %arg8[%get3A, %get3A_2] : memref<4096x512xf32, #tpu.memory_space<vmem>>, vector<4096x512xf32>
    %get3A_4 = arith.constant 0 : index
    %get3A_5 = arith.constant 0 : index
    %get3A_6 = vector.load %arg14[%get3A_4, %get3A_5] : memref<1x512xf32, #tpu.memory_space<vmem>>, vector<1x512xf32>
    %dot_general3A = arith.constant dense<0.000000e+00> : vector<1x4096xf32>
    %dot_general3A_7 = tpu.matmul %get3A_6, %get3A_3, %dot_general3A {dimension_numbers = #tpu.dot_dimension_numbers<[1], [1], [0], [0], [0, 0, 1, 0], [], []>, transpose_lhs_hint = false} : vector<1x512xf32>, vector<4096x512xf32>, vector<1x4096xf32> -> vector<1x4096xf32>
    %mul3A = arith.mulf %get3A_3, %get3A_3 : vector<4096x512xf32>
    %broadcast_in_dim3A = arith.constant 1.000000e+00 : f32
    %broadcast_in_dim3A_8 = vector.broadcast %broadcast_in_dim3A : f32 to vector<1x512xf32>
    %dot_general3A_9 = arith.constant dense<0.000000e+00> : vector<1x4096xf32>
    %dot_general3A_10 = tpu.matmul %broadcast_in_dim3A_8, %mul3A, %dot_general3A_9 {dimension_numbers = #tpu.dot_dimension_numbers<[1], [1], [0], [0], [0, 0, 1, 0], [], []>, transpose_lhs_hint = false} : vector<1x512xf32>, vector<4096x512xf32>, vector<1x4096xf32> -> vector<1x4096xf32>
    %sqrt3A = math.sqrt %dot_general3A_10 : vector<1x4096xf32>
    %max3A = arith.constant 9.99999996E-13 : f32
    %max3A_11 = vector.broadcast %max3A : f32 to vector<1x4096xf32>
    %max3A_12 = arith.maximumf %sqrt3A, %max3A_11 : vector<1x4096xf32>
    %div3A = arith.divf %dot_general3A_7, %max3A_12 : vector<1x4096xf32>
    %get3A_13 = arith.constant 0 : index
    %get3A_14 = arith.constant 0 : index
    %get3A_15 = arith.constant 0 : index
    %get3A_16 = vector.load %arg9[%get3A_13, %get3A_14, %get3A_15] : memref<1x1x4096xf32, #tpu.memory_space<vmem>>, vector<1x1x4096xf32>
    %get3A_17 = vector.shape_cast %get3A_16 : vector<1x1x4096xf32> to vector<1x4096xf32>
    %mul3A_18 = arith.mulf %div3A, %get3A_17 : vector<1x4096xf32>
    %reshape3A = vector.shape_cast %mul3A_18 : vector<1x4096xf32> to vector<1x1x4096xf32>
    %swap3A = arith.constant 0 : index
    %swap3A_19 = arith.constant 0 : index
    %swap3A_20 = arith.constant 0 : index
    %swap3A_21 = vector.load %arg12[%swap3A, %swap3A_19, %swap3A_20] : memref<1x1x4096xf32, #tpu.memory_space<vmem>>, vector<1x1x4096xf32>
    tpu.vector_store %arg12[%swap3A, %swap3A_19, %swap3A_20], %reshape3A {strides = array<i32>} : memref<1x1x4096xf32, #tpu.memory_space<vmem>>, vector<1x1x4096xf32>,
    return
  }
  func.func @transform_0(%arg0: i32) -> (i32, i32) {
    %c0_i32 = arith.constant 0 : i32
    %c0_i32_0 = arith.constant 0 : i32
    %c0_i32_1 = arith.constant 0 : i32
    return %c0_i32, %c0_i32_0 : i32, i32
  }
  func.func @transform_1(%arg0: i32) -> (i32, i32) {
    %c0_i32 = arith.constant 0 : i32
    %c0_i32_0 = arith.constant 0 : i32
    %c0_i32_1 = arith.constant 0 : i32
    return %c0_i32, %c0_i32_0 : i32, i32
  }
  func.func @transform_2(%arg0: i32) -> (i32, i32) {
    %c0_i32 = arith.constant 0 : i32
    %c0_i32_0 = arith.constant 0 : i32
    %c0_i32_1 = arith.constant 0 : i32
    return %c0_i32, %c0_i32_0 : i32, i32
  }
  func.func @transform_3(%arg0: i32) -> (i32, i32) {
    %c0_i32 = arith.constant 0 : i32
    %c0_i32_0 = arith.constant 0 : i32
    %c0_i32_1 = arith.constant 0 : i32
    return %c0_i32, %c0_i32_0 : i32, i32
  }
  func.func @transform_4(%arg0: i32) -> (i32, i32) {
    %c0_i32 = arith.constant 0 : i32
    %c0_i32_0 = arith.constant 0 : i32
    %c0_i32_1 = arith.constant 0 : i32
    return %c0_i32, %c0_i32_0 : i32, i32
  }
  func.func @transform_5(%arg0: i32) -> (i32, i32) {
    %c0_i32 = arith.constant 0 : i32
    %c0_i32_0 = arith.constant 0 : i32
    %c0_i32_1 = arith.constant 0 : i32
    return %c0_i32, %c0_i32_0 : i32, i32
  }
  func.func @transform_6(%arg0: i32) -> (i32, i32) {
    %c0_i32 = arith.constant 0 : i32
    %c0_i32_0 = arith.constant 0 : i32
    %c0_i32_1 = arith.constant 0 : i32
    return %c0_i32, %c0_i32_0 : i32, i32
  }
  func.func @transform_7(%arg0: i32) -> (i32, i32) {
    %c0_i32 = arith.constant 0 : i32
    %c0_i32_0 = arith.constant 0 : i32
    return %arg0, %c0_i32 : i32, i32
  }
  func.func @transform_8(%arg0: i32) -> (i32, i32, i32) {
    %c0_i32 = arith.constant 0 : i32
    %c0_i32_0 = arith.constant 0 : i32
    %c0_i32_1 = arith.constant 0 : i32
    return %arg0, %c0_i32, %c0_i32_0 : i32, i32, i32
  }
  func.func @transform_9(%arg0: i32) -> (i32, i32) {
    %c0_i32 = arith.constant 0 : i32
    %c0_i32_0 = arith.constant 0 : i32
    %c0_i32_1 = arith.constant 0 : i32
    return %c0_i32, %c0_i32_0 : i32, i32
  }
  func.func @transform_10(%arg0: i32) -> (i32, i32) {
    %c0_i32 = arith.constant 0 : i32
    %c0_i32_0 = arith.constant 0 : i32
    %c0_i32_1 = arith.constant 0 : i32
    return %c0_i32, %c0_i32_0 : i32, i32
  }
  func.func @transform_11(%arg0: i32) -> (i32, i32, i32) {
    %c0_i32 = arith.constant 0 : i32
    %c0_i32_0 = arith.constant 0 : i32
    %c0_i32_1 = arith.constant 0 : i32
    return %arg0, %c0_i32, %c0_i32_0 : i32, i32, i32
  }
  func.func @transform_12(%arg0: i32) -> (i32, i32) {
    %c0_i32 = arith.constant 0 : i32
    %c0_i32_0 = arith.constant 0 : i32
    %c0_i32_1 = arith.constant 0 : i32
    return %c0_i32, %c0_i32_0 : i32, i32
  }
}

module attributes {stable_mosaic.version = 14 : i64} {
  func.func @_tc2_body(%arg0: memref<32x16xf32, #tpu.memory_space<vmem>>, %arg1: memref<32x16xi32, #tpu.memory_space<vmem>>, %arg2: memref<1x1024xf32, #tpu.memory_space<vmem>>, %arg3: memref<512x1024xf32, #tpu.memory_space<vmem>>, %arg4: memref<65536x512xf32, #tpu.memory_space<any>>, %arg5: memref<1x1024xf32, #tpu.memory_space<vmem>>, %arg6: memref<8x512xf32, #tpu.memory_space<vmem>>, %arg7: memref<!tpu.dma_semaphore, #tpu.memory_space<semaphore_mem>>) attributes {dimension_semantics = [], scalar_prefetch = 0 : i64, scratch_operands = 2 : i64, tpu.core_type = #tpu.core_type<tc>} {
    %get3A = arith.constant 0 : index
    %get3A_0 = arith.constant 0 : index
    %get3A_1 = vector.load %arg0[%get3A, %get3A_0] : memref<32x16xf32, #tpu.memory_space<vmem>>, vector<32x16xf32>
    %get3A_2 = arith.constant 0 : index
    %get3A_3 = arith.constant 0 : index
    %get3A_4 = vector.load %arg1[%get3A_2, %get3A_3] : memref<32x16xi32, #tpu.memory_space<vmem>>, vector<32x16xi32>
    %reduce_max3A = vector.shape_cast %get3A_1 : vector<32x16xf32> to vector<1x32x16xf32>
    %reduce_max3A_5 = arith.constant dense<0xFF800000> : vector<1xf32>
    %reduce_max3A_6 = vector.multi_reduction <maximumf>, %reduce_max3A, %reduce_max3A_5 [1, 2] : vector<1x32x16xf32> to vector<1xf32>
    %reduce_max3A_7 = vector.shape_cast %reduce_max3A_6 : vector<1xf32> to vector<1x1x1xf32>
    %reduce_max3A_8 = vector.extract %reduce_max3A_7[0, 0, 0] : f32 from vector<1x1x1xf32>
    %eq3A = vector.broadcast %reduce_max3A_8 : f32 to vector<32x16xf32>
    %eq3A_9 = arith.cmpf oeq, %get3A_1, %eq3A : vector<32x16xf32>
    %jit3A = arith.constant 2147483647 : i32
    %broadcast_in_dim3A = vector.broadcast %jit3A : i32 to vector<32x16xi32>
    %select_n3A = arith.select %eq3A_9, %get3A_4, %broadcast_in_dim3A : vector<32x16xi1>, vector<32x16xi32>
    %reduce_min3A = vector.shape_cast %select_n3A : vector<32x16xi32> to vector<1x32x16xi32>
    %reduce_min3A_10 = arith.constant dense<2147483647> : vector<1xi32>
    %reduce_min3A_11 = vector.multi_reduction <minsi>, %reduce_min3A, %reduce_min3A_10 [1, 2] : vector<1x32x16xi32> to vector<1xi32>
    %reduce_min3A_12 = vector.shape_cast %reduce_min3A_11 : vector<1xi32> to vector<1x1x1xi32>
    %reduce_min3A_13 = vector.extract %reduce_min3A_12[0, 0, 0] : i32 from vector<1x1x1xi32>
    %eq3A_14 = vector.broadcast %reduce_min3A_13 : i32 to vector<32x16xi32>
    %eq3A_15 = arith.cmpi eq, %get3A_4, %eq3A_14 : vector<32x16xi32>
    %jit3A_16 = arith.constant 0xFF800000 : f32
    %broadcast_in_dim3A_17 = vector.broadcast %jit3A_16 : f32 to vector<32x16xf32>
    %select_n3A_18 = arith.select %eq3A_15, %broadcast_in_dim3A_17, %get3A_1 : vector<32x16xi1>, vector<32x16xf32>
    %dma_start3A = arith.constant 0 : i32
    %dma_start3A_19 = arith.constant 0 : i32
    %dma_start3A_20 = tpu.memref_slice %arg6[%dma_start3A, %dma_start3A_19] : memref<8x512xf32, #tpu.memory_space<vmem>> -> memref<1x512xf32, #tpu.memory_space<vmem>>
    %dma_start3A_21 = arith.constant 0 : i32
    %dma_start3A_22 = tpu.memref_slice %arg4[%reduce_min3A_13, %dma_start3A_21] : memref<65536x512xf32, #tpu.memory_space<any>> -> memref<1x512xf32, #tpu.memory_space<any>>
    tpu.enqueue_dma source(%dma_start3A_22 : memref<1x512xf32, #tpu.memory_space<any>>) target(%dma_start3A_20 : memref<1x512xf32, #tpu.memory_space<vmem>>) target_semaphore(%arg7 : memref<!tpu.dma_semaphore, #tpu.memory_space<semaphore_mem>>)
    %reduce_max3A_23 = vector.shape_cast %select_n3A_18 : vector<32x16xf32> to vector<1x32x16xf32>
    %reduce_max3A_24 = arith.constant dense<0xFF800000> : vector<1xf32>
    %reduce_max3A_25 = vector.multi_reduction <maximumf>, %reduce_max3A_23, %reduce_max3A_24 [1, 2] : vector<1x32x16xf32> to vector<1xf32>
    %reduce_max3A_26 = vector.shape_cast %reduce_max3A_25 : vector<1xf32> to vector<1x1x1xf32>
    %reduce_max3A_27 = vector.extract %reduce_max3A_26[0, 0, 0] : f32 from vector<1x1x1xf32>
    %eq3A_28 = vector.broadcast %reduce_max3A_27 : f32 to vector<32x16xf32>
    %eq3A_29 = arith.cmpf oeq, %select_n3A_18, %eq3A_28 : vector<32x16xf32>
    %jit3A_30 = arith.constant 2147483647 : i32
    %broadcast_in_dim3A_31 = vector.broadcast %jit3A_30 : i32 to vector<32x16xi32>
    %select_n3A_32 = arith.select %eq3A_29, %get3A_4, %broadcast_in_dim3A_31 : vector<32x16xi1>, vector<32x16xi32>
    %reduce_min3A_33 = vector.shape_cast %select_n3A_32 : vector<32x16xi32> to vector<1x32x16xi32>
    %reduce_min3A_34 = arith.constant dense<2147483647> : vector<1xi32>
    %reduce_min3A_35 = vector.multi_reduction <minsi>, %reduce_min3A_33, %reduce_min3A_34 [1, 2] : vector<1x32x16xi32> to vector<1xi32>
    %reduce_min3A_36 = vector.shape_cast %reduce_min3A_35 : vector<1xi32> to vector<1x1x1xi32>
    %reduce_min3A_37 = vector.extract %reduce_min3A_36[0, 0, 0] : i32 from vector<1x1x1xi32>
    %eq3A_38 = vector.broadcast %reduce_min3A_37 : i32 to vector<32x16xi32>
    %eq3A_39 = arith.cmpi eq, %get3A_4, %eq3A_38 : vector<32x16xi32>
    %jit3A_40 = arith.constant 0xFF800000 : f32
    %broadcast_in_dim3A_41 = vector.broadcast %jit3A_40 : f32 to vector<32x16xf32>
    %select_n3A_42 = arith.select %eq3A_39, %broadcast_in_dim3A_41, %select_n3A_18 : vector<32x16xi1>, vector<32x16xf32>
    %dma_start3A_43 = arith.constant 1 : i32
    %dma_start3A_44 = arith.constant 0 : i32
    %dma_start3A_45 = tpu.memref_slice %arg6[%dma_start3A_43, %dma_start3A_44] : memref<8x512xf32, #tpu.memory_space<vmem>> -> memref<1x512xf32, #tpu.memory_space<vmem>>
    %dma_start3A_46 = arith.constant 0 : i32
    %dma_start3A_47 = tpu.memref_slice %arg4[%reduce_min3A_37, %dma_start3A_46] : memref<65536x512xf32, #tpu.memory_space<any>> -> memref<1x512xf32, #tpu.memory_space<any>>
    tpu.enqueue_dma source(%dma_start3A_47 : memref<1x512xf32, #tpu.memory_space<any>>) target(%dma_start3A_45 : memref<1x512xf32, #tpu.memory_space<vmem>>) target_semaphore(%arg7 : memref<!tpu.dma_semaphore, #tpu.memory_space<semaphore_mem>>)
    %reduce_max3A_48 = vector.shape_cast %select_n3A_42 : vector<32x16xf32> to vector<1x32x16xf32>
    %reduce_max3A_49 = arith.constant dense<0xFF800000> : vector<1xf32>
    %reduce_max3A_50 = vector.multi_reduction <maximumf>, %reduce_max3A_48, %reduce_max3A_49 [1, 2] : vector<1x32x16xf32> to vector<1xf32>
    %reduce_max3A_51 = vector.shape_cast %reduce_max3A_50 : vector<1xf32> to vector<1x1x1xf32>
    %reduce_max3A_52 = vector.extract %reduce_max3A_51[0, 0, 0] : f32 from vector<1x1x1xf32>
    %eq3A_53 = vector.broadcast %reduce_max3A_52 : f32 to vector<32x16xf32>
    %eq3A_54 = arith.cmpf oeq, %select_n3A_42, %eq3A_53 : vector<32x16xf32>
    %jit3A_55 = arith.constant 2147483647 : i32
    %broadcast_in_dim3A_56 = vector.broadcast %jit3A_55 : i32 to vector<32x16xi32>
    %select_n3A_57 = arith.select %eq3A_54, %get3A_4, %broadcast_in_dim3A_56 : vector<32x16xi1>, vector<32x16xi32>
    %reduce_min3A_58 = vector.shape_cast %select_n3A_57 : vector<32x16xi32> to vector<1x32x16xi32>
    %reduce_min3A_59 = arith.constant dense<2147483647> : vector<1xi32>
    %reduce_min3A_60 = vector.multi_reduction <minsi>, %reduce_min3A_58, %reduce_min3A_59 [1, 2] : vector<1x32x16xi32> to vector<1xi32>
    %reduce_min3A_61 = vector.shape_cast %reduce_min3A_60 : vector<1xi32> to vector<1x1x1xi32>
    %reduce_min3A_62 = vector.extract %reduce_min3A_61[0, 0, 0] : i32 from vector<1x1x1xi32>
    %dma_start3A_63 = arith.constant 2 : i32
    %dma_start3A_64 = arith.constant 0 : i32
    %dma_start3A_65 = tpu.memref_slice %arg6[%dma_start3A_63, %dma_start3A_64] : memref<8x512xf32, #tpu.memory_space<vmem>> -> memref<1x512xf32, #tpu.memory_space<vmem>>
    %dma_start3A_66 = arith.constant 0 : i32
    %dma_start3A_67 = tpu.memref_slice %arg4[%reduce_min3A_62, %dma_start3A_66] : memref<65536x512xf32, #tpu.memory_space<any>> -> memref<1x512xf32, #tpu.memory_space<any>>
    tpu.enqueue_dma source(%dma_start3A_67 : memref<1x512xf32, #tpu.memory_space<any>>) target(%dma_start3A_65 : memref<1x512xf32, #tpu.memory_space<vmem>>) target_semaphore(%arg7 : memref<!tpu.dma_semaphore, #tpu.memory_space<semaphore_mem>>)
    %dma_wait3A = arith.constant 0 : i32
    %dma_wait3A_68 = arith.constant 0 : i32
    %dma_wait3A_69 = tpu.memref_slice %arg6[%dma_wait3A, %dma_wait3A_68] : memref<8x512xf32, #tpu.memory_space<vmem>> -> memref<1x512xf32, #tpu.memory_space<vmem>>
    %dma_wait3A_70 = arith.constant 0 : i32
    %dma_wait3A_71 = tpu.memref_slice %arg4[%reduce_min3A_13, %dma_wait3A_70] : memref<65536x512xf32, #tpu.memory_space<any>> -> memref<1x512xf32, #tpu.memory_space<any>>
    tpu.wait_dma2 semaphore(%arg7 : memref<!tpu.dma_semaphore, #tpu.memory_space<semaphore_mem>>) src(%dma_wait3A_71 : memref<1x512xf32, #tpu.memory_space<any>>) dst(%dma_wait3A_69 : memref<1x512xf32, #tpu.memory_space<vmem>>)
    %dma_wait3A_72 = arith.constant 1 : i32
    %dma_wait3A_73 = arith.constant 0 : i32
    %dma_wait3A_74 = tpu.memref_slice %arg6[%dma_wait3A_72, %dma_wait3A_73] : memref<8x512xf32, #tpu.memory_space<vmem>> -> memref<1x512xf32, #tpu.memory_space<vmem>>
    %dma_wait3A_75 = arith.constant 0 : i32
    %dma_wait3A_76 = tpu.memref_slice %arg4[%reduce_min3A_37, %dma_wait3A_75] : memref<65536x512xf32, #tpu.memory_space<any>> -> memref<1x512xf32, #tpu.memory_space<any>>
    tpu.wait_dma2 semaphore(%arg7 : memref<!tpu.dma_semaphore, #tpu.memory_space<semaphore_mem>>) src(%dma_wait3A_76 : memref<1x512xf32, #tpu.memory_space<any>>) dst(%dma_wait3A_74 : memref<1x512xf32, #tpu.memory_space<vmem>>)
    %dma_wait3A_77 = arith.constant 2 : i32
    %dma_wait3A_78 = arith.constant 0 : i32
    %dma_wait3A_79 = tpu.memref_slice %arg6[%dma_wait3A_77, %dma_wait3A_78] : memref<8x512xf32, #tpu.memory_space<vmem>> -> memref<1x512xf32, #tpu.memory_space<vmem>>
    %dma_wait3A_80 = arith.constant 0 : i32
    %dma_wait3A_81 = tpu.memref_slice %arg4[%reduce_min3A_62, %dma_wait3A_80] : memref<65536x512xf32, #tpu.memory_space<any>> -> memref<1x512xf32, #tpu.memory_space<any>>
    tpu.wait_dma2 semaphore(%arg7 : memref<!tpu.dma_semaphore, #tpu.memory_space<semaphore_mem>>) src(%dma_wait3A_81 : memref<1x512xf32, #tpu.memory_space<any>>) dst(%dma_wait3A_79 : memref<1x512xf32, #tpu.memory_space<vmem>>)
    %sub3A = arith.subf %reduce_max3A_8, %reduce_max3A_8 : f32
    %broadcast_in_dim3A_82 = vector.broadcast %sub3A : f32 to vector<1x512xf32>
    %exp3A = math.exp %broadcast_in_dim3A_82 : vector<1x512xf32>
    %sub3A_83 = arith.subf %reduce_max3A_27, %reduce_max3A_8 : f32
    %broadcast_in_dim3A_84 = vector.broadcast %sub3A_83 : f32 to vector<1x512xf32>
    %exp3A_85 = math.exp %broadcast_in_dim3A_84 : vector<1x512xf32>
    %sub3A_86 = arith.subf %reduce_max3A_52, %reduce_max3A_8 : f32
    %broadcast_in_dim3A_87 = vector.broadcast %sub3A_86 : f32 to vector<1x512xf32>
    %exp3A_88 = math.exp %broadcast_in_dim3A_87 : vector<1x512xf32>
    %add3A = arith.addf %exp3A, %exp3A_85 : vector<1x512xf32>
    %add3A_89 = arith.addf %add3A, %exp3A_88 : vector<1x512xf32>
    %get3A_90 = arith.constant 0 : index
    %get3A_91 = arith.constant 0 : index
    %get3A_92 = vector.load %arg6[%get3A_90, %get3A_91] : memref<8x512xf32, #tpu.memory_space<vmem>>, vector<1x512xf32>
    %mul3A = arith.mulf %exp3A, %get3A_92 : vector<1x512xf32>
    %get3A_93 = arith.constant 1 : index
    %get3A_94 = arith.constant 0 : index
    %get3A_95 = vector.load %arg6[%get3A_93, %get3A_94] : memref<8x512xf32, #tpu.memory_space<vmem>>, vector<1x512xf32>
    %mul3A_96 = arith.mulf %exp3A_85, %get3A_95 : vector<1x512xf32>
    %add3A_97 = arith.addf %mul3A, %mul3A_96 : vector<1x512xf32>
    %get3A_98 = arith.constant 2 : index
    %get3A_99 = arith.constant 0 : index
    %get3A_100 = vector.load %arg6[%get3A_98, %get3A_99] : memref<8x512xf32, #tpu.memory_space<vmem>>, vector<1x512xf32>
    %mul3A_101 = arith.mulf %exp3A_88, %get3A_100 : vector<1x512xf32>
    %add3A_102 = arith.addf %add3A_97, %mul3A_101 : vector<1x512xf32>
    %div3A = arith.divf %add3A_102, %add3A_89 : vector<1x512xf32>
    %get3A_103 = arith.constant 0 : index
    %get3A_104 = arith.constant 0 : index
    %get3A_105 = vector.load %arg2[%get3A_103, %get3A_104] : memref<1x1024xf32, #tpu.memory_space<vmem>>, vector<1x1024xf32>
    %get3A_106 = arith.constant 0 : index
    %get3A_107 = arith.constant 0 : index
    %get3A_108 = vector.load %arg3[%get3A_106, %get3A_107] : memref<512x1024xf32, #tpu.memory_space<vmem>>, vector<512x1024xf32>
    %dot_general3A = arith.constant dense<0.000000e+00> : vector<1x1024xf32>
    %dot_general3A_109 = tpu.matmul %div3A, %get3A_108, %dot_general3A {dimension_numbers = #tpu.dot_dimension_numbers<[1], [0], [0], [1], [0, 0, 1, 1], [], []>, transpose_lhs_hint = false} : vector<1x512xf32>, vector<512x1024xf32>, vector<1x1024xf32> -> vector<1x1024xf32>
    %add3A_110 = arith.addf %get3A_105, %dot_general3A_109 : vector<1x1024xf32>
    %swap3A = arith.constant 0 : index
    %swap3A_111 = arith.constant 0 : index
    %swap3A_112 = vector.load %arg5[%swap3A, %swap3A_111] : memref<1x1024xf32, #tpu.memory_space<vmem>>, vector<1x1024xf32>
    tpu.vector_store %arg5[%swap3A, %swap3A_111], %add3A_110 {strides = array<i32>} : memref<1x1024xf32, #tpu.memory_space<vmem>>, vector<1x1024xf32>,
    return
  }
}

</mosaic_0001>

<sc_bundles>
// kernel: kernel.5.cloned.1.call-start
scs
__scs_entry_jumppad:
0x0: {  	(pc) =	sbr.rel $0x88, $3  }
0x1: {  	(tag) =	ssettag $0x0;
	lr =	simm.s32 $0x1  }
0x2: {  	[smem:$0x3F95] =	sst lr;
	_ =	strace $0xD0000000  }
0x3: {  	_ = 	snop  }
0x4: {  	_ = 	snop  }
0x5: {  	_ = 	snop  }
0x6: {  	_ = 	snop  }
0x7: {  	_ = 	snop  }
__scs_overlays_trampoline_lowered:
0x8: {  	[smem:$0x3FA4] =	sst s0  }
0x9: {  	[smem:$0x3FA5] =	sst s1  }
0xa: {  	[smem:$0x3FA6] =	sst s2  }
0xb: {  	[smem:$0x3FA7] =	sst s3  }
0xc: {  	[smem:$0x3FA8] =	sst s4  }
0xd: {  	[smem:$0x3FA9] =	sst s5  }
0xe: {  	[smem:$0x3FAA] =	sst s6  }
0xf: {  	[smem:$0x3FAB] =	sst s7  }
0x10: {  	[smem:$0x3FAC] =	sst s8  }
0x11: {  	[smem:$0x3FAD] =	sst s9;
	s0 =	simm.s32 @!p0 $0x0  }
0x12: {  	s1 =	sld [smem:$0x3F93];
	s0 =	simm.s32 @p0 $0x1  }
0x13: {  	[smem:$0x3FAE] =	sst s0;
	s0 =	simm.s32 @!p1 $0x0  }
0x14: {  	s2 =	sld [smem:$0x3F92];
	s0 =	simm.s32 @p1 $0x1  }
0x15: {  	[smem:$0x3FAF] =	sst s0;
	s0 =	simm.s32 @!p2 $0x0  }
0x16: {  	s3 =	sld [smem:$0x3FDB];
	s0 =	simm.s32 @p2 $0x1  }
0x17: {  	s4 =	simm.s32 $0x1BF5;
	[smem:$0x3FB1] =	sst s0  }
0x18: {  	s0 =	sld [smem:$0x3F94];
	_ =	swait.ge [sflag:s4], $0x0  }
0x19: {  	s7 =	sld [smem:$0x3F95]  }
0x1a: {  	s8 =	sadd.s32 $0xFFFFE003, lr  }
0x1b: {  	s9 =	sadd.s32 $0xFFFFFEF7, lr;
	s5 =	simm.s32 $0xFFFFFFFF;
	p2 =	slt.u32 s8, $0xFFFFF086  }
0x1c: {  	p1 =	slt.u32 s9, $0xF7A;
	s5 =	simm.s32 @!p2 $0x0  }
0x1d: {  	s5 =	simm.s32 @p1 $0x1;
	p0 =	seq.s32 s7, s2  }
0x1e: {  	s7 =	smul.u32 @!p0 $0xF7A, s2;
	p2 =	seq.s32 @!p0 s5, $0x0  }
0x1f: {  	s9 =	smul.u32 $0xF7A, s1;
	s8 =	simm.s32 @!p0 $0x1BF5;
	p2 =	por !p2, p0  }
0x20: {  	[sflag:s8] =	ssyncset.s32 @!p0 $0xFFFFF086;
	s6 =	sadd.s32 @!p0 s3, s7;
	s7 =	simm.s32 @!p0 $0x108  }
0x21: {  	s3 =	sadd.s32 s3, s9;
	s6 =	sadd.s32 @!p0 $0x88, s6;
	s7 =	simm.s32 @p2 $0x1082  }
0x22: {  	[simem:s7], [sflag:s8] =	dma.local @!p0 [hbm:s6], $0xF7A  }
0x23: {  	s9 =	sor.u32 $0xD0000000, s2;
	s6 =	simm.s32 $0x108;
	_ =	swait.ge @!p0 [sflag:s8], $0x0  }
0x24: {  	s3 =	sadd.s32 $0x88, s3;
	s6 =	simm.s32 @!p1 $0x1082;
	[sflag:s4] =	ssyncset.s32 $0xFFFFF086  }
0x25: {  	[simem:s6], [sflag:s4] =	dma.local [hbm:s3], $0xF7A  }
0x26: {  	[smem:$0x3F95] =	sst s1;
	(tag) =	ssettag s2;
	_ =	strace s9  }
0x27: {  	s1 =	sld [smem:$0x3FA5]  }
0x28: {  	s2 =	sld [smem:$0x3FA6]  }
0x29: {  	s4 =	sld [smem:$0x3FA8]  }
0x2a: {  	p0 =	seq.s32 s5, $0x0;
	s5 =	sld [smem:$0x3FA9]  }
0x2b: {  	s6 =	sld [smem:$0x3FAA]  }
0x2c: {  	s7 =	sld [smem:$0x3FAB]  }
0x2d: {  	s3 =	simm.s32 $0x108;
	s8 =	sld [smem:$0x3FAC]  }
0x2e: {  	s3 =	simm.s32 @!p0 $0x1082;
	s9 =	sld [smem:$0x3FAD]  }
0x2f: {  	lr =	sadd.s32 s0, s3;
	s0 =	sld [smem:$0x3FA4]  }
0x30: {  	s3 =	sld [smem:$0x3FA7]  }
0x31: {  	[smem:$0x3FB0] =	sst s10  }
0x32: {  	s10 =	sld [smem:$0x3FAE];
	_ =	sdelay $0x3  }
0x33: {  	p0 =	seq.s32 s10, $0x1;
	s10 =	sld [smem:$0x3FB0];
	_ =	sdelay $0x3  }
0x34: {  	[smem:$0x3FB0] =	sst s10  }
0x35: {  	s10 =	sld [smem:$0x3FAF];
	_ =	sdelay $0x3  }
0x36: {  	p1 =	seq.s32 s10, $0x1;
	s10 =	sld [smem:$0x3FB0];
	_ =	sdelay $0x3  }
0x37: {  	[smem:$0x3FB0] =	sst s10  }
0x38: {  	s10 =	sld [smem:$0x3FB1]  }
0x39: {  	_ = 	snop;
	(pc) =	sbr.ind lr, $3  }
0x3a: {  	_ = 	snop  }
0x3b: {  	_ = 	snop  }
0x3c: {  	p2 =	seq.s32 s10, $0x1;
	s10 =	sld [smem:$0x3FB0]  }
0x3d: {  	_ =	shalt  }
0x3e: {  	_ =	shalt  }
0x3f: {  	_ =	shalt  }
0x40: {  	_ =	shalt  }
0x41: {  	_ =	shalt  }
0x42: {  	_ =	shalt  }
0x43: {  	_ =	shalt  }
0x44: {  	_ =	shalt  }
0x45: {  	_ =	shalt  }
0x46: {  	_ =	shalt  }
0x47: {  	_ =	shalt  }
0x48: {  	_ =	shalt  }
0x49: {  	_ =	shalt  }
0x4a: {  	_ =	shalt  }
0x4b: {  	_ =	shalt  }
0x4c: {  	_ =	shalt  }
0x4d: {  	_ =	shalt  }
0x4e: {  	_ =	shalt  }
0x4f: {  	_ =	shalt  }
0x50: {  	_ =	shalt  }
0x51: {  	_ =	shalt  }
0x52: {  	_ =	shalt  }
0x53: {  	_ =	shalt  }
0x54: {  	_ =	shalt  }
0x55: {  	_ =	shalt  }
0x56: {  	_ =	shalt  }
0x57: {  	_ =	shalt  }
0x58: {  	_ =	shalt  }
0x59: {  	_ =	shalt  }
0x5a: {  	_ =	shalt  }
0x5b: {  	_ =	shalt  }
0x5c: {  	_ =	shalt  }
0x5d: {  	_ =	shalt  }
0x5e: {  	_ =	shalt  }
0x5f: {  	_ =	shalt  }
0x60: {  	_ =	shalt  }
0x61: {  	_ =	shalt  }
0x62: {  	_ =	shalt  }
0x63: {  	_ =	shalt  }
0x64: {  	_ =	shalt  }
0x65: {  	_ =	shalt  }
0x66: {  	_ =	shalt  }
0x67: {  	_ =	shalt  }
0x68: {  	_ =	shalt  }
0x69: {  	_ =	shalt  }
0x6a: {  	_ =	shalt  }
0x6b: {  	_ =	shalt  }
0x6c: {  	_ =	shalt  }
0x6d: {  	_ =	shalt  }
0x6e: {  	_ =	shalt  }
0x6f: {  	_ =	shalt  }
0x70: {  	_ =	shalt  }
0x71: {  	_ =	shalt  }
0x72: {  	_ =	shalt  }
0x73: {  	_ =	shalt  }
0x74: {  	_ =	shalt  }
0x75: {  	_ =	shalt  }
0x76: {  	_ =	shalt  }
0x77: {  	_ =	shalt  }
0x78: {  	_ =	shalt  }
0x79: {  	_ =	shalt  }
0x7a: {  	_ =	shalt  }
0x7b: {  	_ =	shalt  }
0x7c: {  	_ =	shalt  }
0x7d: {  	_ =	shalt  }
0x7e: {  	_ =	shalt  }
0x7f: {  	_ =	shalt  }
0x80: {  	_ =	shalt  }
0x81: {  	_ =	shalt  }
0x82: {  	_ =	shalt  }
0x83: {  	_ =	shalt  }
0x84: {  	_ =	shalt  }
0x85: {  	_ =	shalt  }
0x86: {  	_ =	shalt  }
0x87: {  	_ =	shalt  }
.Lfunc_end0:
.L_simem_size_0:
called_computation_lowered:
.L_overlay_start_0:
0x88: {  	s2 =	sld [smem:$0x3FD9]  }
0x89: {  	s3 =	sld [smem:$0x3FFE];
	_ =	sdelay $0x1  }
0x8a: {  	s1 =	srdreg.scid  }
0x8b: {  	s0 =	sand.u32 $0x1, s1  }
0x8c: {  	s16 =	sshll.u32 s0, $0xA;
	s2 =	sadd.s32 s3, s2  }
0x8d: {  	s2 =	sadd.s32 s2, s16  }
0x8e: {  	[smem:$0x3FBC] =	sst s2  }
0x8f: {  	_ = 	snop  }
0x90: {  	(tm) =	ssettm $0x1  }
0x91: {  	s17 =	sld [smem:$0x3FFB];
	_ =	sdelay $0x3  }
0x92: {  	_ =	strace s17  }
0x93: {  	s2 =	sld [smem:$0x3FFC];
	_ =	sdelay $0x3  }
0x94: {  	_ =	strace s2  }
0x95: {  	s2 =	sld [smem:$0x3FFD];
	_ =	sdelay $0x3  }
0x96: {  	_ =	strace s2  }
0x97: {  	_ =	strace $0x8FFFFFFF  }
0x98: {  	s18 =	sld [smem:$0x3FDB];
	_ =	sdelay $0x1  }
0x99: {  	s19 =	simm.s32 $_scs_section_size  }
0x9a: {  	s4 =	simm.s32 $_size__tile_overlayer_lowered;
	s5 =	simm.s32 $_tile_overlayer_lowered  }
0x9b: {  	s22 =	simm.s32 $0x1BFF;
	s21 =	sshll.u32 s5, $0x1;
	s2 =	sadd.s32 s19, s18  }
0x9c: {  	s6 =	simm.s32 $0x0;
	s20 =	sshll.u32 s4, $0x1;
	s4 =	sadd.s32 s21, s2  }
0x9d: {  	[timem:s6], [sflag:s22] =	dma.local [hbm:s4], s20  }
0x9e: {  	_ =	swait.ge [sflag:s22], s20  }
0x9f: {  	s3 =	ssub.s32 $0x0, s20;
	[sflag:s22] =	ssyncset.done $0x0  }
0xa0: {  	[sflag:s22] =	ssyncadd.s32 s3;
	_ =	sdelay $0x1  }
0xa1: {  	s23 =	simm.s32 $0x1B8B  }
0xa2: {  	_ =	swait.ge [sflag:s23], $0x1  }
0xa3: {  	[sflag:s23] =	ssyncset.done $0x0  }
0xa4: {  	s25 =	simm.s32 $0x1B8E;
	s24 =	sld [smem:$0x3FFE];
	[sflag:s23] =	ssyncadd.s32 $0xFFFFFFFF  }
0xa5: {  	s26 =	simm.s32 $execute0_lowered;
	[smem:$0x3FD2] =	sst s25  }
0xa6: {  	s4 =	sshll.u32 s26, $0x1;
	_ =	strace $0x80000046;
	[dreg:$0x1] =	wrdreg $0xFFFFFFFF  }
0xa7: {  	s28 =	simm.s32 $_size_execute0_lowered;
	s2 =	sadd.s32 s2, s4;
	[dreg:$0x0] =	wrdreg $0x0  }
0xa8: {  	s4 =	sshll.u32 s28, $0x1;
	[dreg:$0x2] =	wrdreg s2  }
0xa9: {  	[dreg:$0x3] =	wrdreg s4  }
0xaa: {  	[dreg:$0x4] =	wrdreg $0xC0  }
0xab: {  	_ =	task [dreg:s6], $0x5FFFF  }
0xac: {  	[dreg:$0x1] =	wrdreg $0xFFFFFFFF  }
0xad: {  	[dreg:$0x0] =	wrdreg $0x60  }
0xae: {  	[dreg:$0x2] =	wrdreg s24  }
0xaf: {  	[dreg:$0x3] =	wrdreg $0x9  }
0xb0: {  	_ =	task.clear_ibuf [dreg:s6], $0x4FFFF;
	_ =	strace $0x90000046  }
0xb1: {  	s29 =	simm.s32 $0x9;
	_ =	strace $0x80000048  }
0xb2: {  	_ =	swait.ge [sflag:s29], $0x1  }
0xb3: {  	[sflag:s29] =	ssyncadd.s32 $0xFFFFFFFF  }
0xb4: {  	_ =	strace $0x90000048  }
0xb5: {  	_ =	sfence  }
0xb6: {  	s30 =	sld [smem:$0x0];
	_ =	sdelay $0x2  }
0xb7: {  	s31 =	sshll.u32 s1, $0xD;
	s1 =	sshrl.u32 s1, $0x2  }
0xb8: {  	s3 =	sand.u32 $0x4000, s31;
	s1 =	sadd.s32 s1, s30  }
0xb9: {  	s0 =	sor.u32 s3, s0;
	s1 =	sshll.u32 s1, $0x11  }
0xba: {  	s0 =	sor.u32 s1, s0  }
0xbb: {  	s0 =	sadd.s32 $0x8F2B, s0  }
0xbc: {  	[sflag:s0] =	ssyncadd.remote.s32 $0x1  }
0xbd: {  	_ =	sfence.sel $0xFFFF  }
0xbe: {  	[dreg:$0x0] =	wrdreg $0xFFFFFFFF;
	(pc) =	sbr.abs _section_cstart, $3  }
0xbf: {  	[dreg:$0x1] =	wrdreg $0xFFFFFFFF  }
0xc0: {  	_ =	task.clear_ibuf [dreg:s6], $0x2FFFF;
	_ =	strace $0x9FFFFFFF  }
0xc1: {  	(tm) =	ssettm $0x7FFFFFFF  }
tec
execute0_lowered:
.L_overlay_start_1:
0x0: {  	(tag) =	ssettag $0x1  }
0x1: {  	v0 =	vimm.s32 $0xEFCDAB89;
	v1 =	vimm.s32 $0x67452301;
	v2 =	vimm.s32 $0xDCFE98BA  }
0x2: {  	v3 =	vimm.s32 $0x54761032;
	v4 =	vimm.s32 $0xBA98FEDC;
	v5 =	vimm.s32 $0x32107654  }
0x3: {  	s3 =	rddreg [dreg:$0x0];
	v6 =	vimm.s32 $0xFEDCBA98;
	v7 =	vimm.s32 $0x76543210;
	vm0 =	vmmov $0x1  }
0x4: {  	s0 =	rddreg [dreg:$0x1];
	s2 =	simm.s32 $0x0;
	s4 =	srdreg.scid;
	vm1 =	vcmask $0x30C;
	v0 =	vunpack.c.l.s4.s8 v0;
	v1 =	vunpack.c.l.s4.s8 v1  }
0x5: {  	s1 =	stileid.u32;
	s10 =	simm.s32 $0x880;
	s11 =	simm.s32 $0x0;
	v2 =	vunpack.c.l.s4.s8 v2;
	v3 =	vunpack.c.l.s4.s8 v3;
	v4 =	vunpack.c.l.s4.s8 v4  }
0x6: {  	[smem:$0x7FF] =	sst s2;
	s6 =	sand.u32 $0x1, s4;
	s29 =	sshll.u32 s1, $0x1;
	v5 =	vunpack.c.l.s4.s8 v5;
	v6 =	vunpack.c.l.s4.s8 v6;
	v7 =	vunpack.c.l.s4.s8 v7  }
0x7: {  	s31 =	sshll.u32 s1, $0xC;
	_ =	strace $0x80000047;
	s4 =	sor.u32 s6, s29;
	v0 =	vunpack.c.0.s8.s32 v0;
	v1 =	vunpack.c.0.s8.s32 v1;
	v2 =	vunpack.c.0.s8.s32 v2  }
0x8: {  	s7 =	ssub.s32 $0x2, s6;
	s9 =	sshll.u32 s6, $0xB;
	v3 =	vunpack.c.0.s8.s32 v3;
	s5 =	sshll.u32 s4, $0x8;
	v4 =	vunpack.c.0.s8.s32 v4;
	v5 =	vunpack.c.0.s8.s32 v5  }
0x9: {  	vm2 =	vcmask $0x70C;
	s4 =	sshll.u32 s4, $0x4;
	s30 =	sshrl.u32 s7, $0x1;
	v6 =	vunpack.c.0.s8.s32 v6;
	s5 =	sadd.s32 s5, s3;
	v1 =	vcombine.low v1, v0  }
0xa: {  	s8 =	sadd.s32 s4, s3;
	s7 =	ssub.s32 s7, s30;
	v2 =	vcombine.low v3, v2;
	s3 =	sadd.s32 $0x2000, s5;
	v3 =	vcombine.low v5, v4;
	v4 =	vunpack.c.0.s8.s32 v7  }
0xb: {  	s4 =	sadd.s32 $0x4000, s8;
	s5 =	sadd.s32 $0x4200, s8;
	v0 =	vlaneseq.u32;
	v5 =	vand.u32 $0xF, v6;
	s6 =	smax.u32 s7, $0x1;
	v1 =	vand.u32 $0xF, v1  }
0xc: {  	s7 =	sor.u32 s9, s31;
	s8 =	simm.s32 $0x1;
	s9 =	simm.s32 $0x800;
	v2 =	vand.u32 $0xF, v2;
	v3 =	vand.u32 $0xF, v3;
	v4 =	vcombine.low v5, v4  }
.LBB2_1:
0xd: {  	[tilespmem:s2], [sflag:$0x1] =	stream.linear.gather [hbm4b:s3+s2], $0x800, $0x38;
	[tilespmem:$0x900] =	vst v63  }
0xe: {  	_ =	swait.ge [sflag:s8], $0x800  }
0xf: {  	[sflag:s8] =	ssyncset.done $0x0  }
0x10: {  	s12 =	simm.s32 $0x0;
	[sflag:s8] =	ssyncadd.s32 $0xFFFFF800  }
0x11: {  	v8 =	vld [tilespmem:s12+$0x0];
	_ =	sdelay $0x2  }
0x12: {  	v11 =	vimm.f32 $-Inf;
	v5 =	vimm.s32 $0x0;
	v7 =	vimm.f32 $-Inf  }
0x13: {  	s13 =	simm.s32 $0x40;
	v9 =	vimm.f32 $-Inf;
	v6 =	vimm.s32 $0x0;
	v10 =	vimm.s32 $0x0;
	s12 =	smov.u32 s7  }
.LBB2_2:
0x14: {  	s14 =	sshra.s32 s13, $0x2;
	p0 =	sne.s32 s13, $0x1FC0;
	s13 =	sadd.s32 $0x40, s13;
	v12 =	vor.u32 s12, v0;
	vm3 =	vgt.f32 v8, v11;
	vm4 =	vgt.f32 v8, v7;
	v13 =	vmovc v8  }
.Ltmp0:
0x15: {  	v8 =	vld [tilespmem:s14+$0x0];
	vm5 =	vgt.f32 v13, v9;
	v7 =	vsel vm4, v13, v7;
	v5 =	vsel vm4, v12, v5;
	(pc) =	sbr.rel @p0 .LBB2_2-.Ltmp0, $4  }
0x16: {  	v7 =	vsel vm5, v9, v7;
	v9 =	vsel vm5, v13, v9;
	v14 =	vsel vm5, v12, v6  }
0x17: {  	v5 =	vsel vm5, v6, v5;
	v9 =	vsel vm3, v11, v9;
	v6 =	vsel vm3, v10, v14  }
0x18: {  	v11 =	vsel vm3, v13, v11;
	v10 =	vsel vm3, v12, v10  }
0x19: {  	s12 =	sadd.s32 $0x10, s12  }
0x1a: {  	vm5 =	vgt.f32 v8, v11  }
0x1b: {  	v12 =	vsel vm5, v8, v11  }
0x1c: {  	v13 =	vperm.xlane v12, v1;
	_ =	sdelay $0x1  }
0x1d: {  	v13 =	vmax.f32 v12, v13  }
0x1e: {  	v14 =	vperm.xlane v13, v2;
	_ =	sdelay $0x1  }
0x1f: {  	v13 =	vmax.f32 v13, v14  }
0x20: {  	v14 =	vperm.xlane v13, v3;
	_ =	sdelay $0x1  }
0x21: {  	v13 =	vmax.f32 v13, v14  }
0x22: {  	v14 =	vperm.xlane v13, v4;
	_ =	sdelay $0x1  }
0x23: {  	v15 =	vor.u32 s12, v0;
	v13 =	vmax.f32 v13, v14  }
0x24: {  	v52 =	vsel vm5, v15, v10;
	vm4 =	veq.f32 v12, v13  }
0x25: {  	v16 =	vnsel vm4, $0x7FFFFFFF, v52  }
0x26: {  	v17 =	vperm.xlane v16, v1;
	_ =	sdelay $0x1  }
0x27: {  	vm3 =	vlt.s32 v16, v17  }
0x28: {  	v16 =	vsel vm3, v16, v17  }
0x29: {  	v17 =	vperm.xlane v16, v2;
	_ =	sdelay $0x1  }
0x2a: {  	vm3 =	vlt.s32 v16, v17  }
0x2b: {  	v16 =	vsel vm3, v16, v17  }
0x2c: {  	v17 =	vperm.xlane v16, v3;
	_ =	sdelay $0x1  }
0x2d: {  	vm3 =	vlt.s32 v16, v17  }
0x2e: {  	v16 =	vsel vm3, v16, v17  }
0x2f: {  	v17 =	vperm.xlane v16, v4;
	_ =	sdelay $0x1  }
0x30: {  	vm6 =	vlt.s32 v16, v17  }
0x31: {  	vm3 =	vgt.f32 v8, v9;
	v16 =	vsel vm6, v16, v17  }
0x32: {  	v53 =	vsel vm3, v8, v9;
	vm6 =	veq.s32 v52, v16  }
0x33: {  	v54 =	vsel vm5, v11, v53;
	vm4 =	vmand vm4, vm6  }
0x34: {  	v12 =	vsel vm4, v54, v12  }
0x35: {  	v55 =	vperm.xlane v12, v1;
	_ =	sdelay $0x1  }
0x36: {  	v17 =	vmax.f32 v12, v55  }
0x37: {  	v18 =	vperm.xlane v17, v2;
	_ =	sdelay $0x1  }
0x38: {  	v17 =	vmax.f32 v17, v18  }
0x39: {  	v18 =	vperm.xlane v17, v3;
	_ =	sdelay $0x1  }
0x3a: {  	v17 =	vmax.f32 v17, v18  }
0x3b: {  	v18 =	vperm.xlane v17, v4  }
0x3c: {  	v19 =	vsel vm3, v15, v6  }
0x3d: {  	v56 =	vsel vm5, v10, v19;
	v17 =	vmax.f32 v17, v18  }
0x3e: {  	v14 =	vsel vm4, v56, v52;
	vm13 =	veq.f32 v12, v17  }
0x3f: {  	v57 =	vnsel vm13, $0x7FFFFFFF, v14  }
0x40: {  	v58 =	vperm.xlane v57, v1;
	_ =	sdelay $0x1  }
0x41: {  	vm14 =	vlt.s32 v57, v58  }
0x42: {  	v18 =	vsel vm14, v57, v58  }
0x43: {  	v19 =	vperm.xlane v18, v2;
	_ =	sdelay $0x1  }
0x44: {  	vm6 =	vlt.s32 v18, v19  }
0x45: {  	v18 =	vsel vm6, v18, v19  }
0x46: {  	v19 =	vperm.xlane v18, v3;
	_ =	sdelay $0x1  }
0x47: {  	vm6 =	vlt.s32 v18, v19  }
0x48: {  	v18 =	vsel vm6, v18, v19  }
0x49: {  	v19 =	vperm.xlane v18, v4;
	_ =	sdelay $0x1  }
0x4a: {  	vm15 =	vgt.f32 v8, v7;
	vm7 =	vlt.s32 v18, v19  }
0x4b: {  	v7 =	vsel vm15, v8, v7;
	v59 =	vsel vm7, v18, v19  }
0x4c: {  	v7 =	vsel vm3, v9, v7;
	vm7 =	veq.s32 v14, v59  }
0x4d: {  	v7 =	vsel vm4, v7, v54;
	vm5 =	vmand vm13, vm7  }
0x4e: {  	v7 =	vsel vm5, v7, v12  }
0x4f: {  	v60 =	vperm.xlane v7, v1;
	_ =	sdelay $0x1  }
0x50: {  	v9 =	vmax.f32 v7, v60  }
0x51: {  	v61 =	vperm.xlane v9, v2;
	_ =	sdelay $0x1  }
0x52: {  	v9 =	vmax.f32 v9, v61  }
0x53: {  	v11 =	vperm.xlane v9, v3;
	_ =	sdelay $0x1  }
0x54: {  	v9 =	vmax.f32 v9, v11  }
0x55: {  	v5 =	vsel vm15, v15, v5;
	v11 =	vperm.xlane v9, v4  }
0x56: {  	v5 =	vsel vm3, v6, v5  }
0x57: {  	v5 =	vsel vm4, v5, v56;
	v6 =	vmax.f32 v9, v11  }
0x58: {  	v5 =	vsel vm5, v5, v14;
	vm3 =	veq.f32 v7, v6  }
0x59: {  	v5 =	vnsel vm3, $0x7FFFFFFF, v5  }
0x5a: {  	v7 =	vperm.xlane v5, v1;
	_ =	sdelay $0x1  }
0x5b: {  	vm3 =	vlt.s32 v5, v7  }
0x5c: {  	v5 =	vsel vm3, v5, v7  }
0x5d: {  	v7 =	vperm.xlane v5, v2;
	_ =	sdelay $0x1  }
0x5e: {  	vm3 =	vlt.s32 v5, v7  }
0x5f: {  	v5 =	vsel vm3, v5, v7  }
0x60: {  	v7 =	vperm.xlane v5, v3;
	_ =	sdelay $0x1  }
0x61: {  	vm3 =	vlt.s32 v5, v7  }
0x62: {  	v5 =	vsel vm3, v5, v7  }
0x63: {  	v7 =	vperm.xlane v5, v4  }
0x64: {  	v62 =	vnsel vm0, $0xFF800000, v13  }
0x65: {  	v63 =	vnsel vm0, $0x0, v16;
	v9 =	vsel vm1, v62, v17;
	vm3 =	vlt.s32 v5, v7  }
0x66: {  	v6 =	vsel vm2, v9, v6;
	v5 =	vsel vm3, v5, v7;
	v7 =	vsel vm1, v63, v59  }
0x67: {  	[tilespmem:$0x800] =	vst v6;
	v5 =	vsel vm2, v7, v5  }
0x68: {  	[tilespmem:$0x880] =	vst v5  }
0x69: {  	[hbm4b:s4+s2] =	stream.linear.scatter [tilespmem:s9], [sflag:$0x1], $0x80, $0x38;
	[tilespmem:$0x900] =	vst v63  }
0x6a: {  	s11 =	sadd.s32 $0x1, s11;
	_ =	swait.ge [sflag:s8], $0x80  }
0x6b: {  	p0 =	sne.s32 s11, s6;
	[sflag:s8] =	ssyncset.done $0x0  }
.Ltmp1:
0x6c: {  	[sflag:s8] =	ssyncadd.s32 $0xFFFFFF80;
	(pc) =	sbr.rel @p0 .LBB2_1-.Ltmp1, $4  }
0x6d: {  	[hbm4b:s5+s2] =	stream.linear.scatter [tilespmem:s10], [sflag:$0x1], $0x80, $0x38;
	[tilespmem:$0x900] =	vst v63  }
0x6e: {  	_ =	swait.ge [sflag:s8], $0x80  }
0x6f: {  	[sflag:s8] =	ssyncset.done $0x0  }
0x70: {  	[sflag:s8] =	ssyncadd.s32 $0xFFFFFF80  }
0x71: {  	_ =	sfence.sel $0x180000  }
0x72: {  	[bflag:$0x0] =	sbarrier.arrive $0xFFFF  }
0x73: {  	p0 =	sne.s32 s1, $0x0;
	_ =	strace $0x90000047  }
0x74: {  	s0 =	sadd.s32 @!p0 $0x100000, s0;
	[bflag:$0x2] =	sbarrier.arrive $0xFFFF  }
0x75: {  	[sflag:s0] =	ssyncadd.tile.s32 @!p0 $0x1;
	_ =	shalt  }
.Lfunc_end2:
_tile_overlayer_lowered:
.L_overlay_start_2:
0x76: {  	(tag) =	ssettag $0x2  }
0x77: {  	s0 =	rddreg [dreg:$0x0];
	s2 =	stileid.u32  }
0x78: {  	s1 =	rddreg [dreg:$0x1];
	p0 =	sne.s32 s2, $0x0  }
0x79: {  	s3 =	rddreg [dreg:$0x2];
	[bflag:$0x3] =	sbarrier.arrive $0xFFFF;
	s2 =	simm.s32 @!p0 $0x1C01  }
0x7a: {  	[timem:s3], [sflag:s2] =	dma.local @!p0 [hbm:s0], s1  }
0x7b: {  	s0 =	simm.s32 @!p0 $0x1  }
0x7c: {  	_ =	swait.ge @!p0 [sflag:s0], s1  }
0x7d: {  	s1 =	ssub.s32 @!p0 $0x0, s1;
	[sflag:s0] =	ssyncset.done @!p0 $0x0  }
0x7e: {  	[sflag:s0] =	ssyncadd.s32 @!p0 s1  }
0x7f: {  	[bflag:$0x3] =	sbarrier.arrive $0xFFFF  }
0x80: {  	_ =	shalt  }

</sc_bundles>
